<compile_context>
chip_gen: v7x
topology: tpu7x:2x2x1
jax: 0.10.2.dev20260603
libtpu: 0.0.44.dev20260713+nightly
codegen_flags: <defaults>
</compile_context>

<pallas_src>
import functools

import jax
import jax.numpy as jnp
from jax import lax
from jax.experimental import pallas as pl
from jax.experimental.pallas import tpu as pltpu
from jax.experimental.pallas import tpu_sc as plsc

VOCAB = 100000
DIM = 64
B, H, W, L = 1024, 4, 4, 20
CELLS = B * H * W
NW = 32
CELLS_PER_W = CELLS // NW
GROUPS = CELLS_PER_W // 16
IDX_PER_W = CELLS_PER_W * L
COLS_BLK = 25600


def _matvec_body(w_ref, t_ref, b_ref, o_ref):
    o_ref[...] = (
        jnp.dot(w_ref[...], t_ref[...], preferred_element_type=jnp.float32,
                precision=jax.lax.Precision.HIGHEST)
        + b_ref[0, 0]
    ).reshape(COLS_BLK)


def _project_table(table, pred_w, pred_b):
    tt = table.T
    pred_w = pred_w.astype(jnp.float32)
    b20 = (pred_b.astype(jnp.float32) / jnp.float32(L)).reshape(1, 1)
    grid = (VOCAB + COLS_BLK - 1) // COLS_BLK
    return pl.pallas_call(
        _matvec_body,
        grid=(grid,),
        in_specs=[
            pl.BlockSpec((1, DIM), lambda i: (jnp.int32(0), jnp.int32(0))),
            pl.BlockSpec((DIM, COLS_BLK), lambda i: (jnp.int32(0), i)),
            pl.BlockSpec((1, 1), lambda i: (jnp.int32(0), jnp.int32(0))),
        ],
        out_specs=pl.BlockSpec((COLS_BLK,), lambda i: (i,)),
        out_shape=jax.ShapeDtypeStruct((VOCAB,), jnp.float32),
    )(pred_w, tt, b20)


@functools.lru_cache(maxsize=1)
def _make_sc_gather_sum():
    mesh = plsc.VectorSubcoreMesh(core_axis_name="c", subcore_axis_name="s")

    @functools.partial(
        pl.kernel,
        mesh=mesh,
        out_type=jax.ShapeDtypeStruct((CELLS,), jnp.float32),
        scratch_types=[
            pltpu.VMEM((VOCAB,), jnp.float32),
            pltpu.VMEM((IDX_PER_W,), jnp.int32),
            pltpu.VMEM((CELLS_PER_W,), jnp.float32),
            pltpu.SemaphoreType.DMA,
            pltpu.SemaphoreType.DMA,
        ],
        compiler_params=pltpu.CompilerParams(needs_layout_passes=False),
    )
    def _sc_gather_sum(p_hbm, idx_hbm, out_hbm, p_v, idx_v, acc_v, sem_p, sem_i):
        wid = lax.axis_index("s") * 2 + lax.axis_index("c")
        cp_p = pltpu.async_copy(p_hbm, p_v, sem_p)
        cp_i = pltpu.async_copy(
            idx_hbm.at[pl.ds(wid * IDX_PER_W, IDX_PER_W)], idx_v, sem_i
        )
        cp_i.wait()
        cp_p.wait()
        iota20 = lax.iota(jnp.int32, 16) * jnp.int32(L)

        @plsc.parallel_loop(
            jnp.int32(0), jnp.int32(GROUPS), step=jnp.int32(1), unroll=4
        )
        def body(c):
            base = c * jnp.int32(16 * L)
            vals = []
            for l in range(L):
                pos = iota20 + (base + jnp.int32(l))
                iv = plsc.load_gather(idx_v, [pos])
                vals.append(plsc.load_gather(p_v, [iv]))
            while len(vals) > 1:
                vals = [a + b for a, b in zip(vals[::2], vals[1::2])] + (
                    [vals[-1]] if len(vals) % 2 else []
                )
            acc_v[pl.ds(c * jnp.int32(16), 16)] = vals[0]

        pltpu.sync_copy(acc_v, out_hbm.at[pl.ds(wid * CELLS_PER_W, CELLS_PER_W)])

    return _sc_gather_sum


def kernel(x, table, pred_w, pred_b):
    p = _project_table(table, pred_w, pred_b)
    xi = x.reshape(CELLS * L).astype(jnp.int32)
    out_flat = _make_sc_gather_sum()(p, xi)
    return out_flat.reshape(B, H, W).astype(jnp.float64)

# --- scband reference (transcript-rebuilt; emitter-appended) ---
"""Pipeline reference for scband-simple-add-embed-87823491269193 (READ-ONLY COPY).

The authoritative reference and input builder live on the scoring server;
editing this copy changes nothing except your own understanding.
"""

import jax, jax.numpy as jnp
import numpy as np
jax.config.update('jax_enable_x64', True)

VOCAB = 100000
DIM = 64
B, H, W, L = 1024, 4, 4, 20

def setup_inputs(seed: int = 0) -> dict:
    key = jax.random.key(seed)
    k1, k2, k3, k4 = jax.random.split(key, 4)
    x = jax.random.randint(k1, (B, H, W, L), 0, VOCAB, dtype=jnp.int64)
    table = jax.random.normal(k2, (VOCAB, DIM), dtype=jnp.float32)
    pred_w = jax.random.normal(k3, (1, DIM), dtype=jnp.float32) * (1.0 / np.sqrt(DIM))
    pred_b = jax.random.normal(k4, (1,), dtype=jnp.float32) * 0.01
    return {"x": x, "table": table, "pred_w": pred_w, "pred_b": pred_b}

def reference(x, table, pred_w, pred_b):
    # embedding lookup: [B,H,W,L] -> [B,H,W,L,D]
    emb = jnp.take(table, x, axis=0)
    # sum over the bag dimension (dim=1 in the per-cell torch view): [B,H,W,D]
    s = emb.sum(axis=3)
    # dropout is identity in eval / with rate 0.0
    # linear head to scalar per cell: [B,H,W]
    out = jnp.einsum('bhwd,od->bhwo', s, pred_w)[..., 0] + pred_b[0]
    return out

if __name__ == "__main__":
    import jax
    _d = setup_inputs()
    print(jax.jit(kernel)(*tuple(_d.values())))

</pallas_src>

<mosaic_0001>
#map = affine_map<(d0, d1) -> (0)>
module attributes {stable_mosaic.version = 14 : i64} {
  func.func @_sc_gather_sum(%arg0: i32, %arg1: i32, %arg2: memref<100000xf32, #tpu.memory_space<hbm>>, %arg3: memref<327680xi32, #tpu.memory_space<hbm>>, %arg4: memref<16384xf32, #tpu.memory_space<hbm>>, %arg5: memref<100000xf32, #tpu.memory_space<vmem>>, %arg6: memref<10240xi32, #tpu.memory_space<vmem>>, %arg7: memref<512xf32, #tpu.memory_space<vmem>>, %arg8: memref<!tpu.dma_semaphore, #tpu.memory_space<semaphore_mem>>, %arg9: memref<!tpu.dma_semaphore, #tpu.memory_space<semaphore_mem>>) attributes {dimension_semantics = [#tpu.dimension_semantics<core_parallel>, #tpu.dimension_semantics<subcore_parallel>], iteration_bounds = array<i64: 2, 16>, scalar_prefetch = 0 : i64, scratch_operands = 5 : i64, tpu.core_type = #tpu.core_type<sc_vector_subcore>, window_params = [{transform_indices = #map}, {transform_indices = #map}, {transform_indices = #map}]} {
    %mul3A = arith.constant 2 : i32
    %mul3A_0 = arith.muli %arg1, %mul3A : i32
    %add3A = arith.addi %mul3A_0, %arg0 : i32
    tpu.enqueue_dma source(%arg2 : memref<100000xf32, #tpu.memory_space<hbm>>) target(%arg5 : memref<100000xf32, #tpu.memory_space<vmem>>) target_semaphore(%arg8 : memref<!tpu.dma_semaphore, #tpu.memory_space<semaphore_mem>>)
    %mul3A_1 = arith.constant 10240 : i32
    %mul3A_2 = arith.muli %add3A, %mul3A_1 : i32
    %dma_start3A = tpu.memref_slice %arg3[%mul3A_2] : memref<327680xi32, #tpu.memory_space<hbm>> -> memref<10240xi32, #tpu.memory_space<hbm>>
    %dma_start3A_3 = tpu.memref_slice %arg3[%mul3A_2] : memref<327680xi32, #tpu.memory_space<hbm>> -> memref<10240xi32, #tpu.memory_space<hbm>>
    tpu.enqueue_dma source(%dma_start3A_3 : memref<10240xi32, #tpu.memory_space<hbm>>) target(%arg6 : memref<10240xi32, #tpu.memory_space<vmem>>) target_semaphore(%arg9 : memref<!tpu.dma_semaphore, #tpu.memory_space<semaphore_mem>>)
    %dma_wait3A = tpu.memref_slice %arg3[%mul3A_2] : memref<327680xi32, #tpu.memory_space<hbm>> -> memref<10240xi32, #tpu.memory_space<hbm>>
    %dma_wait3A_4 = tpu.memref_slice %arg3[%mul3A_2] : memref<327680xi32, #tpu.memory_space<hbm>> -> memref<10240xi32, #tpu.memory_space<hbm>>
    tpu.wait_dma2 semaphore(%arg9 : memref<!tpu.dma_semaphore, #tpu.memory_space<semaphore_mem>>) src(%dma_wait3A_4 : memref<10240xi32, #tpu.memory_space<hbm>>) dst(%arg6 : memref<10240xi32, #tpu.memory_space<vmem>>)
    tpu.wait_dma2 semaphore(%arg8 : memref<!tpu.dma_semaphore, #tpu.memory_space<semaphore_mem>>) src(%arg2 : memref<100000xf32, #tpu.memory_space<hbm>>) dst(%arg5 : memref<100000xf32, #tpu.memory_space<vmem>>)
    %iota3A = tpu.iota {dimensions = array<i32: 0>} : vector<16xi32>
    %mul3A_5 = arith.constant 20 : i32
    %mul3A_6 = vector.broadcast %mul3A_5 : i32 to vector<16xi32>
    %mul3A_7 = arith.muli %iota3A, %mul3A_6 : vector<16xi32>
    %parallel_loop3A = arith.constant 0 : i32
    %parallel_loop3A_8 = arith.constant 32 : i32
    %parallel_loop3A_9 = arith.constant 1 : i32
    scf.for %parallel_loop3A_12 = %parallel_loop3A to %parallel_loop3A_8 step %parallel_loop3A_9  : i32 {
      %parallel_loop3A_13 = arith.constant 320 : i32
      %parallel_loop3A_14 = arith.muli %parallel_loop3A_12, %parallel_loop3A_13 : i32
      %parallel_loop3A_15 = arith.constant 0 : i32
      %parallel_loop3A_16 = arith.addi %parallel_loop3A_14, %parallel_loop3A_15 : i32
      %parallel_loop3A_17 = vector.broadcast %parallel_loop3A_16 : i32 to vector<16xi32>
      %parallel_loop3A_18 = arith.addi %mul3A_7, %parallel_loop3A_17 : vector<16xi32>
      %parallel_loop3A_19 = tpu.vector_load_idx %arg6[%parallel_loop3A_18] : memref<10240xi32, #tpu.memory_space<vmem>>[vector<16xi32>], vector<16xi32>,
      %parallel_loop3A_20 = tpu.vector_load_idx %arg5[%parallel_loop3A_19] : memref<100000xf32, #tpu.memory_space<vmem>>[vector<16xi32>], vector<16xf32>,
      %parallel_loop3A_21 = arith.constant 1 : i32
      %parallel_loop3A_22 = arith.addi %parallel_loop3A_14, %parallel_loop3A_21 : i32
      %parallel_loop3A_23 = vector.broadcast %parallel_loop3A_22 : i32 to vector<16xi32>
      %parallel_loop3A_24 = arith.addi %mul3A_7, %parallel_loop3A_23 : vector<16xi32>
      %parallel_loop3A_25 = tpu.vector_load_idx %arg6[%parallel_loop3A_24] : memref<10240xi32, #tpu.memory_space<vmem>>[vector<16xi32>], vector<16xi32>,
      %parallel_loop3A_26 = tpu.vector_load_idx %arg5[%parallel_loop3A_25] : memref<100000xf32, #tpu.memory_space<vmem>>[vector<16xi32>], vector<16xf32>,
      %parallel_loop3A_27 = arith.constant 2 : i32
      %parallel_loop3A_28 = arith.addi %parallel_loop3A_14, %parallel_loop3A_27 : i32
      %parallel_loop3A_29 = vector.broadcast %parallel_loop3A_28 : i32 to vector<16xi32>
      %parallel_loop3A_30 = arith.addi %mul3A_7, %parallel_loop3A_29 : vector<16xi32>
      %parallel_loop3A_31 = tpu.vector_load_idx %arg6[%parallel_loop3A_30] : memref<10240xi32, #tpu.memory_space<vmem>>[vector<16xi32>], vector<16xi32>,
      %parallel_loop3A_32 = tpu.vector_load_idx %arg5[%parallel_loop3A_31] : memref<100000xf32, #tpu.memory_space<vmem>>[vector<16xi32>], vector<16xf32>,
      %parallel_loop3A_33 = arith.constant 3 : i32
      %parallel_loop3A_34 = arith.addi %parallel_loop3A_14, %parallel_loop3A_33 : i32
      %parallel_loop3A_35 = vector.broadcast %parallel_loop3A_34 : i32 to vector<16xi32>
      %parallel_loop3A_36 = arith.addi %mul3A_7, %parallel_loop3A_35 : vector<16xi32>
      %parallel_loop3A_37 = tpu.vector_load_idx %arg6[%parallel_loop3A_36] : memref<10240xi32, #tpu.memory_space<vmem>>[vector<16xi32>], vector<16xi32>,
      %parallel_loop3A_38 = tpu.vector_load_idx %arg5[%parallel_loop3A_37] : memref<100000xf32, #tpu.memory_space<vmem>>[vector<16xi32>], vector<16xf32>,
      %parallel_loop3A_39 = arith.constant 4 : i32
      %parallel_loop3A_40 = arith.addi %parallel_loop3A_14, %parallel_loop3A_39 : i32
      %parallel_loop3A_41 = vector.broadcast %parallel_loop3A_40 : i32 to vector<16xi32>
      %parallel_loop3A_42 = arith.addi %mul3A_7, %parallel_loop3A_41 : vector<16xi32>
      %parallel_loop3A_43 = tpu.vector_load_idx %arg6[%parallel_loop3A_42] : memref<10240xi32, #tpu.memory_space<vmem>>[vector<16xi32>], vector<16xi32>,
      %parallel_loop3A_44 = tpu.vector_load_idx %arg5[%parallel_loop3A_43] : memref<100000xf32, #tpu.memory_space<vmem>>[vector<16xi32>], vector<16xf32>,
      %parallel_loop3A_45 = arith.constant 5 : i32
      %parallel_loop3A_46 = arith.addi %parallel_loop3A_14, %parallel_loop3A_45 : i32
      %parallel_loop3A_47 = vector.broadcast %parallel_loop3A_46 : i32 to vector<16xi32>
      %parallel_loop3A_48 = arith.addi %mul3A_7, %parallel_loop3A_47 : vector<16xi32>
      %parallel_loop3A_49 = tpu.vector_load_idx %arg6[%parallel_loop3A_48] : memref<10240xi32, #tpu.memory_space<vmem>>[vector<16xi32>], vector<16xi32>,
      %parallel_loop3A_50 = tpu.vector_load_idx %arg5[%parallel_loop3A_49] : memref<100000xf32, #tpu.memory_space<vmem>>[vector<16xi32>], vector<16xf32>,
      %parallel_loop3A_51 = arith.constant 6 : i32
      %parallel_loop3A_52 = arith.addi %parallel_loop3A_14, %parallel_loop3A_51 : i32
      %parallel_loop3A_53 = vector.broadcast %parallel_loop3A_52 : i32 to vector<16xi32>
      %parallel_loop3A_54 = arith.addi %mul3A_7, %parallel_loop3A_53 : vector<16xi32>
      %parallel_loop3A_55 = tpu.vector_load_idx %arg6[%parallel_loop3A_54] : memref<10240xi32, #tpu.memory_space<vmem>>[vector<16xi32>], vector<16xi32>,
      %parallel_loop3A_56 = tpu.vector_load_idx %arg5[%parallel_loop3A_55] : memref<100000xf32, #tpu.memory_space<vmem>>[vector<16xi32>], vector<16xf32>,
      %parallel_loop3A_57 = arith.constant 7 : i32
      %parallel_loop3A_58 = arith.addi %parallel_loop3A_14, %parallel_loop3A_57 : i32
      %parallel_loop3A_59 = vector.broadcast %parallel_loop3A_58 : i32 to vector<16xi32>
      %parallel_loop3A_60 = arith.addi %mul3A_7, %parallel_loop3A_59 : vector<16xi32>
      %parallel_loop3A_61 = tpu.vector_load_idx %arg6[%parallel_loop3A_60] : memref<10240xi32, #tpu.memory_space<vmem>>[vector<16xi32>], vector<16xi32>,
      %parallel_loop3A_62 = tpu.vector_load_idx %arg5[%parallel_loop3A_61] : memref<100000xf32, #tpu.memory_space<vmem>>[vector<16xi32>], vector<16xf32>,
      %parallel_loop3A_63 = arith.constant 8 : i32
      %parallel_loop3A_64 = arith.addi %parallel_loop3A_14, %parallel_loop3A_63 : i32
      %parallel_loop3A_65 = vector.broadcast %parallel_loop3A_64 : i32 to vector<16xi32>
      %parallel_loop3A_66 = arith.addi %mul3A_7, %parallel_loop3A_65 : vector<16xi32>
      %parallel_loop3A_67 = tpu.vector_load_idx %arg6[%parallel_loop3A_66] : memref<10240xi32, #tpu.memory_space<vmem>>[vector<16xi32>], vector<16xi32>,
      %parallel_loop3A_68 = tpu.vector_load_idx %arg5[%parallel_loop3A_67] : memref<100000xf32, #tpu.memory_space<vmem>>[vector<16xi32>], vector<16xf32>,
      %parallel_loop3A_69 = arith.constant 9 : i32
      %parallel_loop3A_70 = arith.addi %parallel_loop3A_14, %parallel_loop3A_69 : i32
      %parallel_loop3A_71 = vector.broadcast %parallel_loop3A_70 : i32 to vector<16xi32>
      %parallel_loop3A_72 = arith.addi %mul3A_7, %parallel_loop3A_71 : vector<16xi32>
      %parallel_loop3A_73 = tpu.vector_load_idx %arg6[%parallel_loop3A_72] : memref<10240xi32, #tpu.memory_space<vmem>>[vector<16xi32>], vector<16xi32>,
      %parallel_loop3A_74 = tpu.vector_load_idx %arg5[%parallel_loop3A_73] : memref<100000xf32, #tpu.memory_space<vmem>>[vector<16xi32>], vector<16xf32>,
      %parallel_loop3A_75 = arith.constant 10 : i32
      %parallel_loop3A_76 = arith.addi %parallel_loop3A_14, %parallel_loop3A_75 : i32
      %parallel_loop3A_77 = vector.broadcast %parallel_loop3A_76 : i32 to vector<16xi32>
      %parallel_loop3A_78 = arith.addi %mul3A_7, %parallel_loop3A_77 : vector<16xi32>
      %parallel_loop3A_79 = tpu.vector_load_idx %arg6[%parallel_loop3A_78] : memref<10240xi32, #tpu.memory_space<vmem>>[vector<16xi32>], vector<16xi32>,
      %parallel_loop3A_80 = tpu.vector_load_idx %arg5[%parallel_loop3A_79] : memref<100000xf32, #tpu.memory_space<vmem>>[vector<16xi32>], vector<16xf32>,
      %parallel_loop3A_81 = arith.constant 11 : i32
      %parallel_loop3A_82 = arith.addi %parallel_loop3A_14, %parallel_loop3A_81 : i32
      %parallel_loop3A_83 = vector.broadcast %parallel_loop3A_82 : i32 to vector<16xi32>
      %parallel_loop3A_84 = arith.addi %mul3A_7, %parallel_loop3A_83 : vector<16xi32>
      %parallel_loop3A_85 = tpu.vector_load_idx %arg6[%parallel_loop3A_84] : memref<10240xi32, #tpu.memory_space<vmem>>[vector<16xi32>], vector<16xi32>,
      %parallel_loop3A_86 = tpu.vector_load_idx %arg5[%parallel_loop3A_85] : memref<100000xf32, #tpu.memory_space<vmem>>[vector<16xi32>], vector<16xf32>,
      %parallel_loop3A_87 = arith.constant 12 : i32
      %parallel_loop3A_88 = arith.addi %parallel_loop3A_14, %parallel_loop3A_87 : i32
      %parallel_loop3A_89 = vector.broadcast %parallel_loop3A_88 : i32 to vector<16xi32>
      %parallel_loop3A_90 = arith.addi %mul3A_7, %parallel_loop3A_89 : vector<16xi32>
      %parallel_loop3A_91 = tpu.vector_load_idx %arg6[%parallel_loop3A_90] : memref<10240xi32, #tpu.memory_space<vmem>>[vector<16xi32>], vector<16xi32>,
      %parallel_loop3A_92 = tpu.vector_load_idx %arg5[%parallel_loop3A_91] : memref<100000xf32, #tpu.memory_space<vmem>>[vector<16xi32>], vector<16xf32>,
      %parallel_loop3A_93 = arith.constant 13 : i32
      %parallel_loop3A_94 = arith.addi %parallel_loop3A_14, %parallel_loop3A_93 : i32
      %parallel_loop3A_95 = vector.broadcast %parallel_loop3A_94 : i32 to vector<16xi32>
      %parallel_loop3A_96 = arith.addi %mul3A_7, %parallel_loop3A_95 : vector<16xi32>
      %parallel_loop3A_97 = tpu.vector_load_idx %arg6[%parallel_loop3A_96] : memref<10240xi32, #tpu.memory_space<vmem>>[vector<16xi32>], vector<16xi32>,
      %parallel_loop3A_98 = tpu.vector_load_idx %arg5[%parallel_loop3A_97] : memref<100000xf32, #tpu.memory_space<vmem>>[vector<16xi32>], vector<16xf32>,
      %parallel_loop3A_99 = arith.constant 14 : i32
      %parallel_loop3A_100 = arith.addi %parallel_loop3A_14, %parallel_loop3A_99 : i32
      %parallel_loop3A_101 = vector.broadcast %parallel_loop3A_100 : i32 to vector<16xi32>
      %parallel_loop3A_102 = arith.addi %mul3A_7, %parallel_loop3A_101 : vector<16xi32>
      %parallel_loop3A_103 = tpu.vector_load_idx %arg6[%parallel_loop3A_102] : memref<10240xi32, #tpu.memory_space<vmem>>[vector<16xi32>], vector<16xi32>,
      %parallel_loop3A_104 = tpu.vector_load_idx %arg5[%parallel_loop3A_103] : memref<100000xf32, #tpu.memory_space<vmem>>[vector<16xi32>], vector<16xf32>,
      %parallel_loop3A_105 = arith.constant 15 : i32
      %parallel_loop3A_106 = arith.addi %parallel_loop3A_14, %parallel_loop3A_105 : i32
      %parallel_loop3A_107 = vector.broadcast %parallel_loop3A_106 : i32 to vector<16xi32>
      %parallel_loop3A_108 = arith.addi %mul3A_7, %parallel_loop3A_107 : vector<16xi32>
      %parallel_loop3A_109 = tpu.vector_load_idx %arg6[%parallel_loop3A_108] : memref<10240xi32, #tpu.memory_space<vmem>>[vector<16xi32>], vector<16xi32>,
      %parallel_loop3A_110 = tpu.vector_load_idx %arg5[%parallel_loop3A_109] : memref<100000xf32, #tpu.memory_space<vmem>>[vector<16xi32>], vector<16xf32>,
      %parallel_loop3A_111 = arith.constant 16 : i32
      %parallel_loop3A_112 = arith.addi %parallel_loop3A_14, %parallel_loop3A_111 : i32
      %parallel_loop3A_113 = vector.broadcast %parallel_loop3A_112 : i32 to vector<16xi32>
      %parallel_loop3A_114 = arith.addi %mul3A_7, %parallel_loop3A_113 : vector<16xi32>
      %parallel_loop3A_115 = tpu.vector_load_idx %arg6[%parallel_loop3A_114] : memref<10240xi32, #tpu.memory_space<vmem>>[vector<16xi32>], vector<16xi32>,
      %parallel_loop3A_116 = tpu.vector_load_idx %arg5[%parallel_loop3A_115] : memref<100000xf32, #tpu.memory_space<vmem>>[vector<16xi32>], vector<16xf32>,
      %parallel_loop3A_117 = arith.constant 17 : i32
      %parallel_loop3A_118 = arith.addi %parallel_loop3A_14, %parallel_loop3A_117 : i32
      %parallel_loop3A_119 = vector.broadcast %parallel_loop3A_118 : i32 to vector<16xi32>
      %parallel_loop3A_120 = arith.addi %mul3A_7, %parallel_loop3A_119 : vector<16xi32>
      %parallel_loop3A_121 = tpu.vector_load_idx %arg6[%parallel_loop3A_120] : memref<10240xi32, #tpu.memory_space<vmem>>[vector<16xi32>], vector<16xi32>,
      %parallel_loop3A_122 = tpu.vector_load_idx %arg5[%parallel_loop3A_121] : memref<100000xf32, #tpu.memory_space<vmem>>[vector<16xi32>], vector<16xf32>,
      %parallel_loop3A_123 = arith.constant 18 : i32
      %parallel_loop3A_124 = arith.addi %parallel_loop3A_14, %parallel_loop3A_123 : i32
      %parallel_loop3A_125 = vector.broadcast %parallel_loop3A_124 : i32 to vector<16xi32>
      %parallel_loop3A_126 = arith.addi %mul3A_7, %parallel_loop3A_125 : vector<16xi32>
      %parallel_loop3A_127 = tpu.vector_load_idx %arg6[%parallel_loop3A_126] : memref<10240xi32, #tpu.memory_space<vmem>>[vector<16xi32>], vector<16xi32>,
      %parallel_loop3A_128 = tpu.vector_load_idx %arg5[%parallel_loop3A_127] : memref<100000xf32, #tpu.memory_space<vmem>>[vector<16xi32>], vector<16xf32>,
      %parallel_loop3A_129 = arith.constant 19 : i32
      %parallel_loop3A_130 = arith.addi %parallel_loop3A_14, %parallel_loop3A_129 : i32
      %parallel_loop3A_131 = vector.broadcast %parallel_loop3A_130 : i32 to vector<16xi32>
      %parallel_loop3A_132 = arith.addi %mul3A_7, %parallel_loop3A_131 : vector<16xi32>
      %parallel_loop3A_133 = tpu.vector_load_idx %arg6[%parallel_loop3A_132] : memref<10240xi32, #tpu.memory_space<vmem>>[vector<16xi32>], vector<16xi32>,
      %parallel_loop3A_134 = tpu.vector_load_idx %arg5[%parallel_loop3A_133] : memref<100000xf32, #tpu.memory_space<vmem>>[vector<16xi32>], vector<16xf32>,
      %parallel_loop3A_135 = arith.addf %parallel_loop3A_20, %parallel_loop3A_26 : vector<16xf32>
      %parallel_loop3A_136 = arith.addf %parallel_loop3A_32, %parallel_loop3A_38 : vector<16xf32>
      %parallel_loop3A_137 = arith.addf %parallel_loop3A_44, %parallel_loop3A_50 : vector<16xf32>
      %parallel_loop3A_138 = arith.addf %parallel_loop3A_56, %parallel_loop3A_62 : vector<16xf32>
      %parallel_loop3A_139 = arith.addf %parallel_loop3A_68, %parallel_loop3A_74 : vector<16xf32>
      %parallel_loop3A_140 = arith.addf %parallel_loop3A_80, %parallel_loop3A_86 : vector<16xf32>
      %parallel_loop3A_141 = arith.addf %parallel_loop3A_92, %parallel_loop3A_98 : vector<16xf32>
      %parallel_loop3A_142 = arith.addf %parallel_loop3A_104, %parallel_loop3A_110 : vector<16xf32>
      %parallel_loop3A_143 = arith.addf %parallel_loop3A_116, %parallel_loop3A_122 : vector<16xf32>
      %parallel_loop3A_144 = arith.addf %parallel_loop3A_128, %parallel_loop3A_134 : vector<16xf32>
      %parallel_loop3A_145 = arith.addf %parallel_loop3A_135, %parallel_loop3A_136 : vector<16xf32>
      %parallel_loop3A_146 = arith.addf %parallel_loop3A_137, %parallel_loop3A_138 : vector<16xf32>
      %parallel_loop3A_147 = arith.addf %parallel_loop3A_139, %parallel_loop3A_140 : vector<16xf32>
      %parallel_loop3A_148 = arith.addf %parallel_loop3A_141, %parallel_loop3A_142 : vector<16xf32>
      %parallel_loop3A_149 = arith.addf %parallel_loop3A_143, %parallel_loop3A_144 : vector<16xf32>
      %parallel_loop3A_150 = arith.addf %parallel_loop3A_145, %parallel_loop3A_146 : vector<16xf32>
      %parallel_loop3A_151 = arith.addf %parallel_loop3A_147, %parallel_loop3A_148 : vector<16xf32>
      %parallel_loop3A_152 = arith.addf %parallel_loop3A_150, %parallel_loop3A_151 : vector<16xf32>
      %parallel_loop3A_153 = arith.addf %parallel_loop3A_152, %parallel_loop3A_149 : vector<16xf32>
      %parallel_loop3A_154 = arith.constant 16 : i32
      %parallel_loop3A_155 = arith.muli %parallel_loop3A_12, %parallel_loop3A_154 : i32
      %parallel_loop3A_156 = arith.index_cast %parallel_loop3A_155 : i32 to index
      %parallel_loop3A_157 = tpu.vector_load %arg7[%parallel_loop3A_156] {strides = array<i32>} : memref<512xf32, #tpu.memory_space<vmem>>, vector<16xf32>,
      tpu.vector_store %arg7[%parallel_loop3A_156], %parallel_loop3A_153 {strides = array<i32>} : memref<512xf32, #tpu.memory_space<vmem>>, vector<16xf32>,
    } {sc.loop_unroll_factor = 4 : i64, sc.parallel_access}
    %mul3A_10 = arith.constant 512 : i32
    %mul3A_11 = arith.muli %add3A, %mul3A_10 : i32
    "tpu.region"() ({
      %run_scoped3A = tpu.sem_alloc : memref<!tpu.dma_semaphore, #tpu.memory_space<semaphore_mem>>
      %dma_start3A_12 = tpu.memref_slice %arg4[%mul3A_11] : memref<16384xf32, #tpu.memory_space<hbm>> -> memref<512xf32, #tpu.memory_space<hbm>>
      %dma_start3A_13 = tpu.memref_slice %arg4[%mul3A_11] : memref<16384xf32, #tpu.memory_space<hbm>> -> memref<512xf32, #tpu.memory_space<hbm>>
      tpu.enqueue_dma source(%arg7 : memref<512xf32, #tpu.memory_space<vmem>>) target(%dma_start3A_13 : memref<512xf32, #tpu.memory_space<hbm>>) target_semaphore(%run_scoped3A : memref<!tpu.dma_semaphore, #tpu.memory_space<semaphore_mem>>)
      %dma_wait3A_14 = tpu.memref_slice %arg4[%mul3A_11] : memref<16384xf32, #tpu.memory_space<hbm>> -> memref<512xf32, #tpu.memory_space<hbm>>
      %dma_wait3A_15 = tpu.memref_slice %arg4[%mul3A_11] : memref<16384xf32, #tpu.memory_space<hbm>> -> memref<512xf32, #tpu.memory_space<hbm>>
      tpu.wait_dma2 semaphore(%run_scoped3A : memref<!tpu.dma_semaphore, #tpu.memory_space<semaphore_mem>>) src(%arg7 : memref<512xf32, #tpu.memory_space<vmem>>) dst(%dma_wait3A_15 : memref<512xf32, #tpu.memory_space<hbm>>)
      tpu.yield
    }) : () -> ()
    return
  }
}

module attributes {stable_mosaic.version = 14 : i64} {
  func.func @_matvec_body(%arg0: i32, %arg1: memref<1x64xf32, #tpu.memory_space<vmem>>, %arg2: memref<64x25600xf32, #tpu.memory_space<vmem>>, %arg3: memref<1x1xf32, #tpu.memory_space<vmem>>, %arg4: memref<25600xf32, #tpu.memory_space<vmem>>) attributes {dimension_semantics = [#tpu.dimension_semantics<arbitrary>], iteration_bounds = array<i64: 4>, scalar_prefetch = 0 : i64, scratch_operands = 0 : i64, tpu.core_type = #tpu.core_type<tc>, window_params = [{pipeline_mode = #tpu.pipeline_mode<synchronous>, transform_indices = @transform_0, window_bounds = array<i64: 1, 64>}, {transform_indices = @transform_1, window_bounds = array<i64: 64, 25600>}, {pipeline_mode = #tpu.pipeline_mode<synchronous>, transform_indices = @transform_2, window_bounds = array<i64: 1, 1>}, {transform_indices = @transform_3, window_bounds = array<i64: 25600>}]} {
    %get3A = arith.constant 0 : index
    %get3A_0 = arith.constant 0 : index
    %get3A_1 = vector.load %arg1[%get3A, %get3A_0] : memref<1x64xf32, #tpu.memory_space<vmem>>, vector<1x64xf32>
    %get3A_2 = arith.constant 0 : index
    %get3A_3 = arith.constant 0 : index
    %get3A_4 = vector.load %arg2[%get3A_2, %get3A_3] : memref<64x25600xf32, #tpu.memory_space<vmem>>, vector<64x25600xf32>
    %dot_general3A = arith.constant dense<0.000000e+00> : vector<1x25600xf32>
    %dot_general3A_5 = tpu.matmul %get3A_1, %get3A_4, %dot_general3A {dimension_numbers = #tpu.dot_dimension_numbers<[1], [0], [0], [1], [0, 0, 1, 1], [], []>, precision = #tpu.contract_precision<fp32>, transpose_lhs_hint = false} : vector<1x64xf32>, vector<64x25600xf32>, vector<1x25600xf32> -> vector<1x25600xf32>
    %get3A_6 = arith.constant 0 : index
    %get3A_7 = arith.constant 0 : index
    %get3A_8 = vector.load %arg3[%get3A_6, %get3A_7] : memref<1x1xf32, #tpu.memory_space<vmem>>, vector<1x1xf32>
    %get3A_9 = vector.extract %get3A_8[0, 0] : f32 from vector<1x1xf32>
    %add3A = vector.broadcast %get3A_9 : f32 to vector<1x25600xf32>
    %add3A_10 = arith.addf %dot_general3A_5, %add3A : vector<1x25600xf32>
    %reshape3A = vector.shape_cast %add3A_10 : vector<1x25600xf32> to vector<25600xf32>
    %swap3A = arith.constant 0 : index
    %swap3A_11 = vector.load %arg4[%swap3A] : memref<25600xf32, #tpu.memory_space<vmem>>, vector<25600xf32>
    tpu.vector_store %arg4[%swap3A], %reshape3A {strides = array<i32>} : memref<25600xf32, #tpu.memory_space<vmem>>, vector<25600xf32>,
    return
  }
  func.func @transform_0(%arg0: i32) -> (i32, i32) {
    %c0_i32 = arith.constant 0 : i32
    %c0_i32_0 = arith.constant 0 : i32
    %c0_i32_1 = arith.constant 0 : i32
    return %c0_i32, %c0_i32_0 : i32, i32
  }
  func.func @transform_1(%arg0: i32) -> (i32, i32) {
    %c0_i32 = arith.constant 0 : i32
    %c0_i32_0 = arith.constant 0 : i32
    return %c0_i32, %arg0 : i32, i32
  }
  func.func @transform_2(%arg0: i32) -> (i32, i32) {
    %c0_i32 = arith.constant 0 : i32
    %c0_i32_0 = arith.constant 0 : i32
    %c0_i32_1 = arith.constant 0 : i32
    return %c0_i32, %c0_i32_0 : i32, i32
  }
  func.func @transform_3(%arg0: i32) -> i32 {
    %c0_i32 = arith.constant 0 : i32
    return %arg0 : i32
  }
}

</mosaic_0001>

<sc_bundles>
// kernel: kernel.4.cloned.1.call-start
scs
__scs_entry_jumppad:
0x0: {  	(pc) =	sbr.rel $0x88, $3  }
0x1: {  	(tag) =	ssettag $0x0;
	lr =	simm.s32 $0x1  }
0x2: {  	[smem:$0x3F9D] =	sst lr;
	_ =	strace $0xD0000000  }
0x3: {  	_ = 	snop  }
0x4: {  	_ = 	snop  }
0x5: {  	_ = 	snop  }
0x6: {  	_ = 	snop  }
0x7: {  	_ = 	snop  }
__scs_overlays_trampoline_lowered:
0x8: {  	[smem:$0x3FAC] =	sst s0  }
0x9: {  	[smem:$0x3FAD] =	sst s1  }
0xa: {  	[smem:$0x3FAE] =	sst s2  }
0xb: {  	[smem:$0x3FAF] =	sst s3  }
0xc: {  	[smem:$0x3FB0] =	sst s4  }
0xd: {  	[smem:$0x3FB1] =	sst s5  }
0xe: {  	[smem:$0x3FB2] =	sst s6  }
0xf: {  	[smem:$0x3FB3] =	sst s7  }
0x10: {  	[smem:$0x3FB4] =	sst s8  }
0x11: {  	[smem:$0x3FB5] =	sst s9;
	s0 =	simm.s32 @!p0 $0x0  }
0x12: {  	s1 =	sld [smem:$0x3F9B];
	s0 =	simm.s32 @p0 $0x1  }
0x13: {  	[smem:$0x3FB6] =	sst s0;
	s0 =	simm.s32 @!p1 $0x0  }
0x14: {  	s2 =	sld [smem:$0x3F9A];
	s0 =	simm.s32 @p1 $0x1  }
0x15: {  	[smem:$0x3FB7] =	sst s0;
	s0 =	simm.s32 @!p2 $0x0  }
0x16: {  	s3 =	sld [smem:$0x3FDB];
	s0 =	simm.s32 @p2 $0x1  }
0x17: {  	s4 =	simm.s32 $0x1BF5;
	[smem:$0x3FB9] =	sst s0  }
0x18: {  	s0 =	sld [smem:$0x3F9C];
	_ =	swait.ge [sflag:s4], $0x0  }
0x19: {  	s7 =	sld [smem:$0x3F9D]  }
0x1a: {  	s8 =	sadd.s32 $0xFFFFE003, lr  }
0x1b: {  	s9 =	sadd.s32 $0xFFFFFEF7, lr;
	s5 =	simm.s32 $0xFFFFFFFF;
	p2 =	slt.u32 s8, $0xFFFFF086  }
0x1c: {  	p1 =	slt.u32 s9, $0xF7A;
	s5 =	simm.s32 @!p2 $0x0  }
0x1d: {  	s5 =	simm.s32 @p1 $0x1;
	p0 =	seq.s32 s7, s2  }
0x1e: {  	s7 =	smul.u32 @!p0 $0xF7A, s2;
	p2 =	seq.s32 @!p0 s5, $0x0  }
0x1f: {  	s9 =	smul.u32 $0xF7A, s1;
	s8 =	simm.s32 @!p0 $0x1BF5;
	p2 =	por !p2, p0  }
0x20: {  	[sflag:s8] =	ssyncset.s32 @!p0 $0xFFFFF086;
	s6 =	sadd.s32 @!p0 s3, s7;
	s7 =	simm.s32 @!p0 $0x108  }
0x21: {  	s3 =	sadd.s32 s3, s9;
	s6 =	sadd.s32 @!p0 $0x88, s6;
	s7 =	simm.s32 @p2 $0x1082  }
0x22: {  	[simem:s7], [sflag:s8] =	dma.local @!p0 [hbm:s6], $0xF7A  }
0x23: {  	s9 =	sor.u32 $0xD0000000, s2;
	s6 =	simm.s32 $0x108;
	_ =	swait.ge @!p0 [sflag:s8], $0x0  }
0x24: {  	s3 =	sadd.s32 $0x88, s3;
	s6 =	simm.s32 @!p1 $0x1082;
	[sflag:s4] =	ssyncset.s32 $0xFFFFF086  }
0x25: {  	[simem:s6], [sflag:s4] =	dma.local [hbm:s3], $0xF7A  }
0x26: {  	[smem:$0x3F9D] =	sst s1;
	(tag) =	ssettag s2;
	_ =	strace s9  }
0x27: {  	s1 =	sld [smem:$0x3FAD]  }
0x28: {  	s2 =	sld [smem:$0x3FAE]  }
0x29: {  	s4 =	sld [smem:$0x3FB0]  }
0x2a: {  	p0 =	seq.s32 s5, $0x0;
	s5 =	sld [smem:$0x3FB1]  }
0x2b: {  	s6 =	sld [smem:$0x3FB2]  }
0x2c: {  	s7 =	sld [smem:$0x3FB3]  }
0x2d: {  	s3 =	simm.s32 $0x108;
	s8 =	sld [smem:$0x3FB4]  }
0x2e: {  	s3 =	simm.s32 @!p0 $0x1082;
	s9 =	sld [smem:$0x3FB5]  }
0x2f: {  	lr =	sadd.s32 s0, s3;
	s0 =	sld [smem:$0x3FAC]  }
0x30: {  	s3 =	sld [smem:$0x3FAF]  }
0x31: {  	[smem:$0x3FB8] =	sst s10  }
0x32: {  	s10 =	sld [smem:$0x3FB6];
	_ =	sdelay $0x3  }
0x33: {  	p0 =	seq.s32 s10, $0x1;
	s10 =	sld [smem:$0x3FB8];
	_ =	sdelay $0x3  }
0x34: {  	[smem:$0x3FB8] =	sst s10  }
0x35: {  	s10 =	sld [smem:$0x3FB7];
	_ =	sdelay $0x3  }
0x36: {  	p1 =	seq.s32 s10, $0x1;
	s10 =	sld [smem:$0x3FB8];
	_ =	sdelay $0x3  }
0x37: {  	[smem:$0x3FB8] =	sst s10  }
0x38: {  	s10 =	sld [smem:$0x3FB9]  }
0x39: {  	_ = 	snop;
	(pc) =	sbr.ind lr, $3  }
0x3a: {  	_ = 	snop  }
0x3b: {  	_ = 	snop  }
0x3c: {  	p2 =	seq.s32 s10, $0x1;
	s10 =	sld [smem:$0x3FB8]  }
0x3d: {  	_ =	shalt  }
0x3e: {  	_ =	shalt  }
0x3f: {  	_ =	shalt  }
0x40: {  	_ =	shalt  }
0x41: {  	_ =	shalt  }
0x42: {  	_ =	shalt  }
0x43: {  	_ =	shalt  }
0x44: {  	_ =	shalt  }
0x45: {  	_ =	shalt  }
0x46: {  	_ =	shalt  }
0x47: {  	_ =	shalt  }
0x48: {  	_ =	shalt  }
0x49: {  	_ =	shalt  }
0x4a: {  	_ =	shalt  }
0x4b: {  	_ =	shalt  }
0x4c: {  	_ =	shalt  }
0x4d: {  	_ =	shalt  }
0x4e: {  	_ =	shalt  }
0x4f: {  	_ =	shalt  }
0x50: {  	_ =	shalt  }
0x51: {  	_ =	shalt  }
0x52: {  	_ =	shalt  }
0x53: {  	_ =	shalt  }
0x54: {  	_ =	shalt  }
0x55: {  	_ =	shalt  }
0x56: {  	_ =	shalt  }
0x57: {  	_ =	shalt  }
0x58: {  	_ =	shalt  }
0x59: {  	_ =	shalt  }
0x5a: {  	_ =	shalt  }
0x5b: {  	_ =	shalt  }
0x5c: {  	_ =	shalt  }
0x5d: {  	_ =	shalt  }
0x5e: {  	_ =	shalt  }
0x5f: {  	_ =	shalt  }
0x60: {  	_ =	shalt  }
0x61: {  	_ =	shalt  }
0x62: {  	_ =	shalt  }
0x63: {  	_ =	shalt  }
0x64: {  	_ =	shalt  }
0x65: {  	_ =	shalt  }
0x66: {  	_ =	shalt  }
0x67: {  	_ =	shalt  }
0x68: {  	_ =	shalt  }
0x69: {  	_ =	shalt  }
0x6a: {  	_ =	shalt  }
0x6b: {  	_ =	shalt  }
0x6c: {  	_ =	shalt  }
0x6d: {  	_ =	shalt  }
0x6e: {  	_ =	shalt  }
0x6f: {  	_ =	shalt  }
0x70: {  	_ =	shalt  }
0x71: {  	_ =	shalt  }
0x72: {  	_ =	shalt  }
0x73: {  	_ =	shalt  }
0x74: {  	_ =	shalt  }
0x75: {  	_ =	shalt  }
0x76: {  	_ =	shalt  }
0x77: {  	_ =	shalt  }
0x78: {  	_ =	shalt  }
0x79: {  	_ =	shalt  }
0x7a: {  	_ =	shalt  }
0x7b: {  	_ =	shalt  }
0x7c: {  	_ =	shalt  }
0x7d: {  	_ =	shalt  }
0x7e: {  	_ =	shalt  }
0x7f: {  	_ =	shalt  }
0x80: {  	_ =	shalt  }
0x81: {  	_ =	shalt  }
0x82: {  	_ =	shalt  }
0x83: {  	_ =	shalt  }
0x84: {  	_ =	shalt  }
0x85: {  	_ =	shalt  }
0x86: {  	_ =	shalt  }
0x87: {  	_ =	shalt  }
.Lfunc_end0:
.L_simem_size_0:
called_computation_lowered:
.L_overlay_start_0:
0x88: {  	s2 =	sld [smem:$0x3FD9]  }
0x89: {  	s3 =	sld [smem:$0x3FFE];
	_ =	sdelay $0x1  }
0x8a: {  	s1 =	srdreg.scid  }
0x8b: {  	s0 =	sand.u32 $0x1, s1  }
0x8c: {  	s17 =	sshll.u32 s0, $0xA;
	s2 =	sadd.s32 s3, s2  }
0x8d: {  	s2 =	sadd.s32 s2, s17  }
0x8e: {  	[smem:$0x3FC4] =	sst s2  }
0x8f: {  	_ = 	snop  }
0x90: {  	s2 =	sld [smem:$0x3FD0];
	(tm) =	ssettm $0x1  }
0x91: {  	s18 =	sld [smem:$0x3FFB];
	_ =	sdelay $0x3  }
0x92: {  	_ =	strace s18  }
0x93: {  	s3 =	sld [smem:$0x3FFC];
	_ =	sdelay $0x3  }
0x94: {  	_ =	strace s3  }
0x95: {  	s3 =	sld [smem:$0x3FFD];
	_ =	sdelay $0x3  }
0x96: {  	_ =	strace s3  }
0x97: {  	_ =	strace $0x8FFFFFFF  }
0x98: {  	s19 =	sld [smem:$0x3FDB];
	_ =	sdelay $0x1  }
0x99: {  	s4 =	simm.s32 $_scs_section_size  }
0x9a: {  	s5 =	simm.s32 $_size__tile_overlayer_lowered;
	s6 =	simm.s32 $_tile_overlayer_lowered  }
0x9b: {  	s22 =	simm.s32 $0x1BFF;
	s21 =	sshll.u32 s6, $0x1;
	s3 =	sadd.s32 s4, s19  }
0x9c: {  	s7 =	simm.s32 $0x0;
	s20 =	sshll.u32 s5, $0x1;
	s5 =	sadd.s32 s21, s3  }
0x9d: {  	[timem:s7], [sflag:s22] =	dma.local [hbm:s5], s20  }
0x9e: {  	_ =	swait.ge [sflag:s22], s20  }
0x9f: {  	s4 =	ssub.s32 $0x0, s20;
	[sflag:s22] =	ssyncset.done $0x0  }
0xa0: {  	[sflag:s22] =	ssyncadd.s32 s4;
	_ =	sdelay $0x1  }
0xa1: {  	s23 =	simm.s32 $0x1B8B  }
0xa2: {  	_ =	swait.ge [sflag:s23], $0x1  }
0xa3: {  	[sflag:s23] =	ssyncset.done $0x0  }
0xa4: {  	s25 =	simm.s32 $0x1B8E;
	s24 =	sld [smem:$0x3FFE];
	[sflag:s23] =	ssyncadd.s32 $0xFFFFFFFF  }
0xa5: {  	s26 =	simm.s32 $execute0_lowered;
	[smem:$0x3FD2] =	sst s25  }
0xa6: {  	s5 =	sshll.u32 s26, $0x1;
	_ =	strace $0x80000046;
	[dreg:$0x1] =	wrdreg $0xFFFFFFFF  }
0xa7: {  	s28 =	simm.s32 $_size_execute0_lowered;
	s3 =	sadd.s32 s3, s5;
	[dreg:$0x0] =	wrdreg $0x0  }
0xa8: {  	s5 =	sshll.u32 s28, $0x1;
	[dreg:$0x2] =	wrdreg s3  }
0xa9: {  	[dreg:$0x3] =	wrdreg s5  }
0xaa: {  	[dreg:$0x4] =	wrdreg $0xC0  }
0xab: {  	_ =	task [dreg:s7], $0x5FFFF  }
0xac: {  	[dreg:$0x1] =	wrdreg $0xFFFFFFFF  }
0xad: {  	[dreg:$0x0] =	wrdreg $0x60  }
0xae: {  	[dreg:$0x2] =	wrdreg s24  }
0xaf: {  	[dreg:$0x3] =	wrdreg s2  }
0xb0: {  	[dreg:$0x4] =	wrdreg $0x9  }
0xb1: {  	_ =	task.clear_ibuf [dreg:s7], $0x5FFFF;
	_ =	strace $0x90000046  }
0xb2: {  	s29 =	simm.s32 $0x9;
	_ =	strace $0x80000048  }
0xb3: {  	_ =	swait.ge [sflag:s29], $0x1  }
0xb4: {  	[sflag:s29] =	ssyncadd.s32 $0xFFFFFFFF  }
0xb5: {  	_ =	strace $0x90000048  }
0xb6: {  	_ =	sfence  }
0xb7: {  	s30 =	sld [smem:$0x0];
	_ =	sdelay $0x2  }
0xb8: {  	s31 =	sshll.u32 s1, $0xD;
	s1 =	sshrl.u32 s1, $0x2  }
0xb9: {  	s3 =	sand.u32 $0x4000, s31;
	s1 =	sadd.s32 s1, s30  }
0xba: {  	s0 =	sor.u32 s3, s0;
	s1 =	sshll.u32 s1, $0x11  }
0xbb: {  	s0 =	sor.u32 s1, s0  }
0xbc: {  	s0 =	sadd.s32 $0x8F2B, s0  }
0xbd: {  	[sflag:s0] =	ssyncadd.remote.s32 $0x1  }
0xbe: {  	_ =	sfence.sel $0xFFFF  }
0xbf: {  	[dreg:$0x0] =	wrdreg $0xFFFFFFFF;
	(pc) =	sbr.abs _section_cstart, $3  }
0xc0: {  	[dreg:$0x1] =	wrdreg $0xFFFFFFFF  }
0xc1: {  	_ =	task.clear_ibuf [dreg:s7], $0x2FFFF;
	_ =	strace $0x9FFFFFFF  }
0xc2: {  	(tm) =	ssettm $0x7FFFFFFF  }
0xc3: {  	_ =	shalt  }
tec
execute0_lowered:
.L_overlay_start_1:
0x0: {  	(tag) =	ssettag $0x1  }
0x1: {  	s4 =	rddreg [dreg:$0x0]  }
0x2: {  	s5 =	rddreg [dreg:$0x1]  }
0x3: {  	s0 =	rddreg [dreg:$0x2]  }
0x4: {  	s2 =	simm.s32 $0x0;
	s3 =	srdreg.scid;
	s1 =	stileid.u32;
	v0 =	vimm.s32 $0x5C483420;
	v1 =	vimm.s32 $0x2C180470  }
0x5: {  	v2 =	vimm.s32 $0x3C281400;
	v3 =	vimm.s32 $0xC786450;
	s10 =	simm.s32 $0x1AF00;
	s11 =	simm.s32 $0x3;
	s12 =	simm.s32 $0x0;
	v0 =	vunpack.c.0.s8.s32 v0  }
0x6: {  	[smem:$0x7FF] =	sst s2;
	s6 =	sand.u32 $0x1, s3;
	s31 =	sshll.u32 s1, $0x1;
	v1 =	vunpack.c.0.s8.s32 v1;
	v2 =	vunpack.c.0.s8.s32 v2;
	v3 =	vunpack.c.0.s8.s32 v3  }
0x7: {  	vm0 =	vcmask $0x1F10;
	s3 =	sadd.s32 $0xA600, s4;
	s7 =	sor.u32 s6, s31;
	s6 =	ssub.s32 $0x2, s6  }
0x8: {  	s8 =	smul.u32 $0x500, s7;
	s9 =	sshrl.u32 s6, $0x1;
	s7 =	sshll.u32 s7, $0x6;
	v1 =	vsel vm0, v1, v0;
	v2 =	vsel vm0, v3, v2  }
0x9: {  	_ =	strace $0x80000047;
	s6 =	ssub.s32 s6, s9;
	s5 =	sadd.s32 s5, s7;
	v27 =	vcombine.low v2, v1  }
0xa: {  	v0 =	vlaneseq.u32;
	s7 =	simm.s32 $0x18700;
	s9 =	simm.s32 $0x1;
	s4 =	sadd.s32 s8, s4  }
0xb: {  	v0 =	vmul.u32 $0x14, v0;
	s6 =	smax.u32 s6, $0x1;
	s8 =	simm.s32 $0x2;
	s4 =	sadd.s32 $0x600, s4;
	[tilespmem:$0x1FFF0] =	vst v27  }
.LBB2_1:
0xc: {  	[tilespmem:s2], [sflag:$0x1] =	stream.linear.gather [hbm4b:s3+s2], $0x18700, $0x38;
	[tilespmem:$0x1B100] =	vst v63  }
0xd: {  	_ = 	snop  }
0xe: {  	[tilespmem:s7], [sflag:$0x2] =	stream.linear.gather [hbm4b:s4+s2], $0x2800, $0x38;
	[tilespmem:$0x1B100] =	vst v63  }
0xf: {  	s13 =	simm.s32 $0x3D3;
	_ =	swait.ge [sflag:s8], $0x2800  }
0x10: {  	v1 =	vadd.s32 s13, v0;
	[sflag:s8] =	ssyncset.done $0x0  }
0x11: {  	[sflag:s8] =	ssyncadd.s32 $0xFFFFD800  }
0x12: {  	_ =	swait.ge [sflag:s9], $0x18700  }
0x13: {  	[sflag:s9] =	ssyncset.done $0x0  }
0x14: {  	[sflag:s9] =	ssyncadd.s32 $0xFFFE7900  }
0x15: {  	s14 =	simm.s32 $0x290;
	v1 =	vld.idx.msk [tilespmem:v1+s7+$0x0], $0xffff  }
0x16: {  	s18 =	simm.s32 $0x291;
	v2 =	vadd.s32 s14, v0  }
0x17: {  	s19 =	simm.s32 $0x292;
	v3 =	vadd.s32 s18, v0  }
0x18: {  	s20 =	simm.s32 $0x293;
	v4 =	vadd.s32 s19, v0  }
0x19: {  	s21 =	simm.s32 $0x281;
	v5 =	vadd.s32 s20, v0  }
0x1a: {  	s23 =	simm.s32 $0x283;
	v6 =	vadd.s32 s21, v0;
	[tilespmem:$0x1FEA0] =	vst v1  }
0x1b: {  	s26 =	simm.s32 $0x286;
	v7 =	vadd.s32 s23, v0;
	v2 =	vld.idx.msk [tilespmem:v2+s7+$0x0], $0xffff  }
0x1c: {  	s28 =	simm.s32 $0x287;
	s17 =	simm.s32 $0x280;
	v9 =	vadd.s32 s26, v0;
	v8 =	vld.idx.msk [tilespmem:v3+s7+$0x0], $0xffff  }
0x1d: {  	s29 =	simm.s32 $0x288;
	v10 =	vadd.s32 s28, v0;
	v17 =	vadd.s32 s17, v0;
	v24 =	vld.idx.msk [tilespmem:v4+s7+$0x0], $0xffff  }
0x1e: {  	v11 =	vadd.s32 s29, v0;
	v17 =	vand.u32 $0x7F80, v17;
	v5 =	vld.idx.msk [tilespmem:v5+s7+$0x0], $0xffff  }
0x1f: {  	s22 =	simm.s32 $0x282;
	v17 =	vor.u32 v27, v17;
	v6 =	vld.idx.msk [tilespmem:v6+s7+$0x0], $0xffff  }
0x20: {  	s24 =	simm.s32 $0x284;
	v1 =	vadd.s32 s22, v0;
	v7 =	vld.idx.msk [tilespmem:v7+s7+$0x0], $0xffff  }
0x21: {  	s25 =	simm.s32 $0x285;
	v3 =	vadd.s32 s24, v0;
	v14 =	vld.idx.msk [tilespmem:v9+s7+$0x0], $0xffff  }
0x22: {  	s14 =	simm.s32 $0x28B;
	v4 =	vadd.s32 s25, v0;
	v15 =	vld.idx.msk [tilespmem:v10+s7+$0x0], $0xffff  }
0x23: {  	s15 =	simm.s32 $0x28C;
	v9 =	vadd.s32 s14, v0;
	v16 =	vld.idx.msk [tilespmem:v11+s7+$0x0], $0xffff  }
0x24: {  	s16 =	simm.s32 $0x28D;
	v10 =	vadd.s32 s15, v0;
	v26 =	vld.idx.msk [tilespmem:v17+s7+$0x0], $0xffff  }
0x25: {  	s30 =	simm.s32 $0x289;
	v11 =	vadd.s32 s16, v0;
	v1 =	vld.idx.msk [tilespmem:v1+s7+$0x0], $0xffff  }
0x26: {  	v12 =	vld.idx.msk [tilespmem:v3+s7+$0x0], $0xffff;
	v3 =	vadd.s32 s30, v0  }
0x27: {  	v13 =	vld.idx.msk [tilespmem:v4+s7+$0x0], $0xffff  }
0x28: {  	v20 =	vld.idx.msk [tilespmem:v9+s7+$0x0], $0xffff  }
0x29: {  	s31 =	simm.s32 $0x28A;
	v21 =	vld.idx.msk [tilespmem:v10+s7+$0x0], $0xffff  }
0x2a: {  	s18 =	simm.s32 $0x28E;
	v4 =	vadd.s32 s31, v0;
	v22 =	vld.idx.msk [tilespmem:v11+s7+$0x0], $0xffff  }
0x2b: {  	v18 =	vld.idx.msk [tilespmem:v3+s7+$0x0], $0xffff;
	v3 =	vadd.s32 s18, v0  }
0x2c: {  	v56 =	vld.idx.msk [tilespmem:v2+s2+$0x0], $0xffff  }
0x2d: {  	v11 =	vld.idx.msk [tilespmem:v6+s2+$0x0], $0xffff  }
0x2e: {  	v10 =	vld.idx.msk [tilespmem:v14+s2+$0x0], $0xffff  }
0x2f: {  	v19 =	vld.idx.msk [tilespmem:v4+s7+$0x0], $0xffff  }
0x30: {  	s19 =	simm.s32 $0x28F;
	v23 =	vld.idx.msk [tilespmem:v3+s7+$0x0], $0xffff  }
0x31: {  	v4 =	vadd.s32 s19, v0;
	v3 =	vld.idx.msk [tilespmem:v1+s2+$0x0], $0xffff  }
0x32: {  	v1 =	vld.idx.msk [tilespmem:v16+s2+$0x0], $0xffff  }
0x33: {  	v9 =	vld.idx.msk [tilespmem:v12+s2+$0x0], $0xffff  }
0x34: {  	v12 =	vld.idx.msk [tilespmem:v13+s2+$0x0], $0xffff  }
0x35: {  	v13 =	vld.idx.msk [tilespmem:v15+s2+$0x0], $0xffff  }
0x36: {  	v25 =	vld.idx.msk [tilespmem:v4+s7+$0x0], $0xffff  }
0x37: {  	v4 =	vld.idx.msk [tilespmem:v7+s2+$0x0], $0xffff;
	[tilespmem:$0x1FEB0] =	vst v1  }
0x38: {  	v1 =	vld.idx.msk [tilespmem:v18+s2+$0x0], $0xffff;
	_ =	sdelay $0x4  }
0x39: {  	[tilespmem:$0x1FEC0] =	vst v1  }
0x3a: {  	v1 =	vld.idx.msk [tilespmem:v19+s2+$0x0], $0xffff;
	_ =	sdelay $0x4  }
0x3b: {  	[tilespmem:$0x1FED0] =	vst v1  }
0x3c: {  	v1 =	vld.idx.msk [tilespmem:v20+s2+$0x0], $0xffff;
	_ =	sdelay $0x4  }
0x3d: {  	[tilespmem:$0x1FEE0] =	vst v1  }
0x3e: {  	v1 =	vld.idx.msk [tilespmem:v21+s2+$0x0], $0xffff;
	_ =	sdelay $0x4  }
0x3f: {  	[tilespmem:$0x1FEF0] =	vst v1  }
0x40: {  	v2 =	vld.idx.msk [tilespmem:v22+s2+$0x0], $0xffff;
	_ =	sdelay $0x4  }
0x41: {  	[tilespmem:$0x1FF00] =	vst v2  }
0x42: {  	v2 =	vld.idx.msk [tilespmem:v23+s2+$0x0], $0xffff;
	_ =	sdelay $0x4  }
0x43: {  	[tilespmem:$0x1FF30] =	vst v2  }
0x44: {  	v2 =	vld.idx.msk [tilespmem:v25+s2+$0x0], $0xffff;
	_ =	sdelay $0x4  }
0x45: {  	[tilespmem:$0x1FF40] =	vst v2  }
0x46: {  	v6 =	vld.idx.msk [tilespmem:v26+s2+$0x0], $0xffff;
	_ =	sdelay $0x4  }
0x47: {  	[tilespmem:$0x1FF20] =	vst v6  }
0x48: {  	v7 =	vld.idx.msk [tilespmem:v8+s2+$0x0], $0xffff;
	_ =	sdelay $0x4  }
0x49: {  	[tilespmem:$0x1FF80] =	vst v7  }
0x4a: {  	v8 =	vld.idx.msk [tilespmem:v24+s2+$0x0], $0xffff;
	_ =	sdelay $0x3  }
0x4b: {  	s20 =	simm.s32 $0x0  }
0x4c: {  	v1 =	vadd.s32 s20, v0;
	[tilespmem:$0x1FF90] =	vst v8  }
0x4d: {  	v1 =	vand.u32 $0x7F80, v1;
	v5 =	vld.idx.msk [tilespmem:v5+s2+$0x0], $0xffff  }
0x4e: {  	s21 =	simm.s32 $0x1;
	v1 =	vor.u32 v27, v1  }
0x4f: {  	s22 =	simm.s32 $0x2;
	v2 =	vadd.s32 s21, v0  }
0x50: {  	s23 =	simm.s32 $0x3;
	v6 =	vadd.s32 s22, v0  }
0x51: {  	s24 =	simm.s32 $0x4;
	v7 =	vadd.s32 s23, v0  }
0x52: {  	s26 =	simm.s32 $0x6;
	v8 =	vadd.s32 s24, v0;
	[tilespmem:$0x1FFA0] =	vst v5  }
0x53: {  	s28 =	simm.s32 $0x7;
	v31 =	vadd.s32 s26, v0;
	v24 =	vld.idx.msk [tilespmem:v1+s7+$0x0], $0xffff  }
0x54: {  	v32 =	vadd.s32 s28, v0;
	s16 =	simm.s32 $0xC;
	v22 =	vld.idx.msk [tilespmem:v2+s7+$0x0], $0xffff  }
0x55: {  	s17 =	simm.s32 $0xD;
	v37 =	vadd.s32 s16, v0;
	v27 =	vld.idx.msk [tilespmem:v6+s7+$0x0], $0xffff  }
0x56: {  	v38 =	vadd.s32 s17, v0;
	s25 =	simm.s32 $0x5;
	v28 =	vld.idx.msk [tilespmem:v7+s7+$0x0], $0xffff  }
0x57: {  	s22 =	simm.s32 $0x142;
	v5 =	vadd.s32 s25, v0;
	v29 =	vld.idx.msk [tilespmem:v8+s7+$0x0], $0xffff  }
0x58: {  	s29 =	simm.s32 $0x8;
	v43 =	vadd.s32 s22, v0;
	v31 =	vld.idx.msk [tilespmem:v31+s7+$0x0], $0xffff  }
0x59: {  	s30 =	simm.s32 $0x9;
	v6 =	vadd.s32 s29, v0;
	v32 =	vld.idx.msk [tilespmem:v32+s7+$0x0], $0xffff  }
0x5a: {  	s31 =	simm.s32 $0xA;
	v7 =	vadd.s32 s30, v0;
	v37 =	vld.idx.msk [tilespmem:v37+s7+$0x0], $0xffff  }
0x5b: {  	s15 =	simm.s32 $0xB;
	v8 =	vadd.s32 s31, v0;
	v38 =	vld.idx.msk [tilespmem:v38+s7+$0x0], $0xffff  }
0x5c: {  	s29 =	simm.s32 $0x148;
	v30 =	vld.idx.msk [tilespmem:v5+s7+$0x0], $0xffff;
	v5 =	vadd.s32 s15, v0  }
0x5d: {  	s18 =	simm.s32 $0xE;
	v43 =	vld.idx.msk [tilespmem:v43+s7+$0x0], $0xffff;
	v45 =	vadd.s32 s29, v0  }
0x5e: {  	s19 =	simm.s32 $0xF;
	v33 =	vld.idx.msk [tilespmem:v6+s7+$0x0], $0xffff;
	v6 =	vadd.s32 s18, v0  }
0x5f: {  	s20 =	simm.s32 $0x140;
	v34 =	vld.idx.msk [tilespmem:v7+s7+$0x0], $0xffff;
	v7 =	vadd.s32 s19, v0  }
0x60: {  	s21 =	simm.s32 $0x141;
	v35 =	vld.idx.msk [tilespmem:v8+s7+$0x0], $0xffff;
	v8 =	vadd.s32 s20, v0  }
0x61: {  	s23 =	simm.s32 $0x143;
	v36 =	vld.idx.msk [tilespmem:v5+s7+$0x0], $0xffff;
	v5 =	vadd.s32 s21, v0  }
0x62: {  	v44 =	vadd.s32 s23, v0;
	s24 =	simm.s32 $0x144;
	v1 =	vld.idx.msk [tilespmem:v45+s7+$0x0], $0xffff  }
0x63: {  	s25 =	simm.s32 $0x145;
	v39 =	vld.idx.msk [tilespmem:v6+s7+$0x0], $0xffff;
	v6 =	vadd.s32 s24, v0  }
0x64: {  	s26 =	simm.s32 $0x146;
	v40 =	vld.idx.msk [tilespmem:v7+s7+$0x0], $0xffff;
	v7 =	vadd.s32 s25, v0  }
0x65: {  	s28 =	simm.s32 $0x147;
	v41 =	vld.idx.msk [tilespmem:v8+s7+$0x0], $0xffff;
	v8 =	vadd.s32 s26, v0  }
0x66: {  	s30 =	simm.s32 $0x149;
	v42 =	vld.idx.msk [tilespmem:v5+s7+$0x0], $0xffff;
	v5 =	vadd.s32 s28, v0  }
0x67: {  	v44 =	vld.idx.msk [tilespmem:v44+s7+$0x0], $0xffff;
	v46 =	vadd.s32 s30, v0  }
0x68: {  	v47 =	vld.idx.msk [tilespmem:v6+s7+$0x0], $0xffff  }
0x69: {  	v48 =	vld.idx.msk [tilespmem:v7+s7+$0x0], $0xffff  }
0x6a: {  	v49 =	vld.idx.msk [tilespmem:v8+s7+$0x0], $0xffff  }
0x6b: {  	v50 =	vld.idx.msk [tilespmem:v5+s7+$0x0], $0xffff;
	[tilespmem:$0x1FF10] =	vst v1  }
0x6c: {  	s31 =	simm.s32 $0x14A;
	v1 =	vld.idx.msk [tilespmem:v46+s7+$0x0], $0xffff  }
0x6d: {  	v6 =	vadd.s32 s31, v0;
	_ =	sdelay $0x3  }
0x6e: {  	[tilespmem:$0x1FF50] =	vst v1  }
0x6f: {  	s15 =	simm.s32 $0x14B;
	v1 =	vld.idx.msk [tilespmem:v6+s7+$0x0], $0xffff  }
0x70: {  	v7 =	vadd.s32 s15, v0;
	_ =	sdelay $0x3  }
0x71: {  	[tilespmem:$0x1FF60] =	vst v1  }
0x72: {  	s16 =	simm.s32 $0x14C;
	v1 =	vld.idx.msk [tilespmem:v7+s7+$0x0], $0xffff  }
0x73: {  	v8 =	vadd.s32 s16, v0;
	_ =	sdelay $0x3  }
0x74: {  	[tilespmem:$0x1FF70] =	vst v1  }
0x75: {  	s17 =	simm.s32 $0x14D;
	v1 =	vld.idx.msk [tilespmem:v8+s7+$0x0], $0xffff  }
0x76: {  	v5 =	vadd.s32 s17, v0;
	_ =	sdelay $0x3  }
0x77: {  	[tilespmem:$0x1FFB0] =	vst v1  }
0x78: {  	s20 =	simm.s32 $0x3C0;
	v1 =	vld.idx.msk [tilespmem:v5+s7+$0x0], $0xffff  }
0x79: {  	v6 =	vadd.s32 s20, v0;
	_ =	sdelay $0x1  }
0x7a: {  	s18 =	simm.s32 $0x14E  }
0x7b: {  	s19 =	simm.s32 $0x14F;
	v51 =	vadd.s32 s18, v0  }
0x7c: {  	v52 =	vadd.s32 s19, v0;
	s26 =	simm.s32 $0x3C6;
	[tilespmem:$0x1FFC0] =	vst v1  }
0x7d: {  	s21 =	simm.s32 $0x3C1;
	v59 =	vld.idx.msk [tilespmem:v6+s7+$0x0], $0xffff;
	v6 =	vadd.s32 s26, v0  }
0x7e: {  	s22 =	simm.s32 $0x3C2;
	v7 =	vadd.s32 s21, v0  }
0x7f: {  	s23 =	simm.s32 $0x3C3;
	v8 =	vadd.s32 s22, v0  }
0x80: {  	s24 =	simm.s32 $0x3C4;
	v5 =	vadd.s32 s23, v0;
	v54 =	vld.idx.msk [tilespmem:v51+s7+$0x0], $0xffff  }
0x81: {  	v57 =	vadd.s32 s24, v0;
	s15 =	simm.s32 $0x3CB;
	v55 =	vld.idx.msk [tilespmem:v52+s7+$0x0], $0xffff  }
0x82: {  	s28 =	simm.s32 $0x3C7;
	v25 =	vld.idx.msk [tilespmem:v6+s7+$0x0], $0xffff;
	v6 =	vadd.s32 s15, v0  }
0x83: {  	s19 =	simm.s32 $0x3CF;
	v60 =	vld.idx.msk [tilespmem:v7+s7+$0x0], $0xffff;
	v7 =	vadd.s32 s28, v0  }
0x84: {  	s29 =	simm.s32 $0x3C8;
	v1 =	vadd.s32 s19, v0;
	v61 =	vld.idx.msk [tilespmem:v8+s7+$0x0], $0xffff  }
0x85: {  	s30 =	simm.s32 $0x3C9;
	v8 =	vadd.s32 s29, v0;
	v62 =	vld.idx.msk [tilespmem:v5+s7+$0x0], $0xffff  }
0x86: {  	s20 =	simm.s32 $0x10;
	v5 =	vadd.s32 s30, v0;
	v57 =	vld.idx.msk [tilespmem:v57+s7+$0x0], $0xffff  }
0x87: {  	s16 =	simm.s32 $0x3CC;
	v26 =	vld.idx.msk [tilespmem:v6+s7+$0x0], $0xffff;
	v6 =	vadd.s32 s20, v0  }
0x88: {  	s24 =	simm.s32 $0x150;
	v20 =	vld.idx.msk [tilespmem:v7+s7+$0x0], $0xffff;
	v7 =	vadd.s32 s16, v0  }
0x89: {  	s17 =	simm.s32 $0x3CD;
	v52 =	vld.idx.msk [tilespmem:v1+s7+$0x0], $0xffff;
	v1 =	vadd.s32 s24, v0  }
0x8a: {  	s18 =	simm.s32 $0x3CE;
	s25 =	simm.s32 $0x3C5;
	v21 =	vld.idx.msk [tilespmem:v8+s7+$0x0], $0xffff;
	v8 =	vadd.s32 s17, v0  }
0x8b: {  	v58 =	vadd.s32 s25, v0;
	s25 =	simm.s32 $0x151;
	v23 =	vld.idx.msk [tilespmem:v5+s7+$0x0], $0xffff;
	v5 =	vadd.s32 s18, v0  }
0x8c: {  	s21 =	simm.s32 $0x11;
	v53 =	vld.idx.msk [tilespmem:v6+s7+$0x0], $0xffff;
	v6 =	vadd.s32 s25, v0  }
0x8d: {  	v45 =	vld.idx.msk [tilespmem:v7+s7+$0x0], $0xffff;
	v7 =	vadd.s32 s21, v0  }
0x8e: {  	s31 =	simm.s32 $0x3CA;
	v19 =	vld.idx.msk [tilespmem:v1+s7+$0x0], $0xffff  }
0x8f: {  	v63 =	vadd.s32 s31, v0;
	s22 =	simm.s32 $0x12;
	v46 =	vld.idx.msk [tilespmem:v8+s7+$0x0], $0xffff  }
0x90: {  	s23 =	simm.s32 $0x13;
	v8 =	vadd.s32 s22, v0;
	v51 =	vld.idx.msk [tilespmem:v5+s7+$0x0], $0xffff  }
0x91: {  	s26 =	simm.s32 $0x152;
	v5 =	vadd.s32 s23, v0;
	v1 =	vld.idx.msk [tilespmem:v6+s7+$0x0], $0xffff  }
0x92: {  	v16 =	vld.idx.msk [tilespmem:v7+s7+$0x0], $0xffff;
	v7 =	vadd.s32 s26, v0  }
0x93: {  	v58 =	vld.idx.msk [tilespmem:v58+s7+$0x0], $0xffff  }
0x94: {  	v63 =	vld.idx.msk [tilespmem:v63+s7+$0x0], $0xffff  }
0x95: {  	v17 =	vld.idx.msk [tilespmem:v8+s7+$0x0], $0xffff  }
0x96: {  	v18 =	vld.idx.msk [tilespmem:v5+s7+$0x0], $0xffff;
	[tilespmem:$0x1FFD0] =	vst v1  }
0x97: {  	s29 =	simm.s32 $0x3D0;
	v6 =	vld.idx.msk [tilespmem:v7+s7+$0x0], $0xffff  }
0x98: {  	s30 =	simm.s32 $0x3D1;
	v5 =	vadd.s32 s29, v0  }
0x99: {  	s31 =	simm.s32 $0x3D2;
	v2 =	vadd.s32 s30, v0  }
0x9a: {  	v1 =	vadd.s32 s31, v0;
	_ =	sdelay $0x1  }
0x9b: {  	[tilespmem:$0x1FFE0] =	vst v6  }
0x9c: {  	v7 =	vld.idx.msk [tilespmem:v5+s7+$0x0], $0xffff  }
0x9d: {  	v6 =	vld.idx.msk [tilespmem:v2+s7+$0x0], $0xffff  }
0x9e: {  	v5 =	vld.idx.msk [tilespmem:v1+s7+$0x0], $0xffff  }
0x9f: {  	v15 =	vld.idx.msk [tilespmem:v24+s2+$0x0], $0xffff  }
0xa0: {  	v14 =	vld.idx.msk [tilespmem:v22+s2+$0x0], $0xffff  }
0xa1: {  	v22 =	vld.idx.msk [tilespmem:v27+s2+$0x0], $0xffff  }
0xa2: {  	v24 =	vld.idx.msk [tilespmem:v28+s2+$0x0], $0xffff  }
0xa3: {  	v27 =	vld.idx.msk [tilespmem:v29+s2+$0x0], $0xffff  }
0xa4: {  	v28 =	vld.idx.msk [tilespmem:v30+s2+$0x0], $0xffff  }
0xa5: {  	v29 =	vld.idx.msk [tilespmem:v31+s2+$0x0], $0xffff  }
0xa6: {  	v30 =	vld.idx.msk [tilespmem:v32+s2+$0x0], $0xffff  }
0xa7: {  	v31 =	vld.idx.msk [tilespmem:v33+s2+$0x0], $0xffff  }
0xa8: {  	v32 =	vld.idx.msk [tilespmem:v34+s2+$0x0], $0xffff  }
0xa9: {  	v33 =	vld.idx.msk [tilespmem:v35+s2+$0x0], $0xffff  }
0xaa: {  	v34 =	vld.idx.msk [tilespmem:v36+s2+$0x0], $0xffff  }
0xab: {  	v35 =	vld.idx.msk [tilespmem:v37+s2+$0x0], $0xffff  }
0xac: {  	v36 =	vld.idx.msk [tilespmem:v38+s2+$0x0], $0xffff  }
0xad: {  	v1 =	vld [tilespmem:$0x1FEB0]  }
0xae: {  	v2 =	vld [tilespmem:$0x1FEC0]  }
0xaf: {  	v38 =	vld.idx.msk [tilespmem:v40+s2+$0x0], $0xffff  }
0xb0: {  	v40 =	vld.idx.msk [tilespmem:v42+s2+$0x0], $0xffff  }
0xb1: {  	v42 =	vld.idx.msk [tilespmem:v44+s2+$0x0], $0xffff  }
0xb2: {  	v44 =	vld.idx.msk [tilespmem:v48+s2+$0x0], $0xffff  }
0xb3: {  	v48 =	vadd.f32 v12, v9;
	v9 =	vadd.f32 v2, v1;
	v1 =	vld [tilespmem:$0x1FED0]  }
0xb4: {  	v2 =	vld [tilespmem:$0x1FEE0]  }
0xb5: {  	v37 =	vld.idx.msk [tilespmem:v39+s2+$0x0], $0xffff  }
0xb6: {  	v39 =	vld.idx.msk [tilespmem:v41+s2+$0x0], $0xffff  }
0xb7: {  	v41 =	vld.idx.msk [tilespmem:v43+s2+$0x0], $0xffff  }
0xb8: {  	v43 =	vld.idx.msk [tilespmem:v47+s2+$0x0], $0xffff  }
0xb9: {  	v47 =	vadd.f32 v4, v3;
	v3 =	vadd.f32 v2, v1;
	v1 =	vld [tilespmem:$0x1FEF0]  }
0xba: {  	v2 =	vld [tilespmem:$0x1FF00];
	_ =	sdelay $0x4  }
0xbb: {  	v4 =	vadd.f32 v2, v1;
	v1 =	vld [tilespmem:$0x1FF10];
	_ =	sdelay $0x7  }
0xbc: {  	v10 =	vadd.f32 v13, v10;
	v13 =	vld.idx.msk [tilespmem:v1+s2+$0x0], $0xffff  }
0xbd: {  	v1 =	vld [tilespmem:$0x1FF20];
	_ =	sdelay $0x3  }
0xbe: {  	v2 =	vld [tilespmem:$0x1FF30]  }
0xbf: {  	v1 =	vadd.f32 v11, v1;
	v11 =	vld [tilespmem:$0x1FF40];
	_ =	sdelay $0x4  }
0xc0: {  	v2 =	vadd.f32 v11, v2;
	v11 =	vld [tilespmem:$0x1FF50]  }
0xc1: {  	v3 =	vadd.f32 v3, v9;
	v9 =	vld [tilespmem:$0x1FF60]  }
0xc2: {  	v2 =	vadd.f32 v2, v4;
	v4 =	vld [tilespmem:$0x1FF70];
	_ =	sdelay $0x5  }
0xc3: {  	v12 =	vld.idx.msk [tilespmem:v11+s2+$0x0], $0xffff  }
0xc4: {  	v11 =	vld.idx.msk [tilespmem:v9+s2+$0x0], $0xffff  }
0xc5: {  	v9 =	vld.idx.msk [tilespmem:v4+s2+$0x0], $0xffff  }
0xc6: {  	v4 =	vld [tilespmem:$0x1FF80];
	_ =	sdelay $0x4  }
0xc7: {  	v1 =	vadd.f32 v47, v1;
	v47 =	vadd.f32 v4, v56;
	v4 =	vld [tilespmem:$0x1FF90]  }
0xc8: {  	v56 =	vld [tilespmem:$0x1FFA0];
	_ =	sdelay $0x3  }
0xc9: {  	v2 =	vadd.f32 v2, v3;
	v3 =	vld [tilespmem:$0x1FFC0]  }
0xca: {  	v10 =	vadd.f32 v10, v48;
	v48 =	vadd.f32 v56, v4;
	v4 =	vld [tilespmem:$0x1FFB0]  }
0xcb: {  	v49 =	vld.idx.msk [tilespmem:v49+s2+$0x0], $0xffff  }
0xcc: {  	v50 =	vld.idx.msk [tilespmem:v50+s2+$0x0], $0xffff  }
0xcd: {  	v57 =	vld.idx.msk [tilespmem:v57+s2+$0x0], $0xffff;
	v14 =	vadd.f32 v14, v15  }
0xce: {  	v20 =	vld.idx.msk [tilespmem:v20+s2+$0x0], $0xffff;
	v15 =	vadd.f32 v24, v22;
	v1 =	vadd.f32 v10, v1  }
0xcf: {  	v24 =	vadd.f32 v28, v27;
	v27 =	vadd.f32 v30, v29;
	v10 =	vld.idx.msk [tilespmem:v54+s2+$0x0], $0xffff  }
0xd0: {  	v1 =	vadd.f32 v2, v1;
	v2 =	vld.idx.msk [tilespmem:v55+s2+$0x0], $0xffff  }
0xd1: {  	v14 =	vadd.f32 v15, v14;
	v15 =	vadd.f32 v27, v24;
	v3 =	vld.idx.msk [tilespmem:v3+s2+$0x0], $0xffff  }
0xd2: {  	v29 =	vadd.f32 v32, v31;
	v4 =	vld.idx.msk [tilespmem:v4+s2+$0x0], $0xffff  }
0xd3: {  	v28 =	vld.idx.msk [tilespmem:v62+s2+$0x0], $0xffff;
	v62 =	vadd.f32 v50, v49;
	v14 =	vadd.f32 v15, v14  }
0xd4: {  	s28 =	simm.s32 $0x153;
	v22 =	vld.idx.msk [tilespmem:v61+s2+$0x0], $0xffff;
	v15 =	vadd.f32 v40, v39;
	v47 =	vadd.f32 v48, v47  }
0xd5: {  	v8 =	vadd.s32 s28, v0;
	v55 =	vld.idx.msk [tilespmem:v59+s2+$0x0], $0xffff;
	v59 =	vadd.f32 v36, v35;
	v2 =	vadd.f32 v2, v10  }
0xd6: {  	v24 =	vld.idx.msk [tilespmem:v25+s2+$0x0], $0xffff;
	v56 =	vadd.f32 v34, v33;
	v47 =	vadd.f32 v47, v1  }
0xd7: {  	v1 =	vld.idx.msk [tilespmem:v60+s2+$0x0], $0xffff;
	v60 =	vadd.f32 v38, v37;
	v3 =	vadd.f32 v3, v4  }
0xd8: {  	v61 =	vld.idx.msk [tilespmem:v58+s2+$0x0], $0xffff;
	v12 =	vadd.f32 v12, v13;
	v25 =	vadd.f32 v56, v29  }
0xd9: {  	v27 =	vadd.f32 v60, v59;
	v2 =	vadd.f32 v2, v3;
	v3 =	vld [tilespmem:$0x1FFD0]  }
0xda: {  	v8 =	vld.idx.msk [tilespmem:v8+s7+$0x0], $0xffff;
	v9 =	vadd.f32 v9, v11;
	v29 =	vadd.f32 v44, v43  }
0xdb: {  	v21 =	vld.idx.msk [tilespmem:v21+s2+$0x0], $0xffff;
	v25 =	vadd.f32 v27, v25;
	v27 =	vadd.f32 v42, v41  }
0xdc: {  	v23 =	vld.idx.msk [tilespmem:v23+s2+$0x0], $0xffff;
	v20 =	vadd.f32 v20, v24;
	v9 =	vadd.f32 v9, v12  }
0xdd: {  	v63 =	vld.idx.msk [tilespmem:v63+s2+$0x0], $0xffff;
	v10 =	vadd.f32 v62, v29;
	v4 =	vadd.f32 v27, v15  }
0xde: {  	v13 =	vld.idx.msk [tilespmem:v26+s2+$0x0], $0xffff;
	v11 =	vadd.f32 v28, v22;
	v22 =	vadd.f32 v61, v57  }
0xdf: {  	v26 =	vld.idx.msk [tilespmem:v45+s2+$0x0], $0xffff;
	v4 =	vadd.f32 v10, v4;
	v9 =	vadd.f32 v2, v9  }
0xe0: {  	s13 =	simm.s32 $0x1AF20;
	v12 =	vld.idx.msk [tilespmem:v51+s2+$0x0], $0xffff  }
0xe1: {  	[tilespmem:s13+$0x0] =	vst v47;
	v4 =	vadd.f32 v9, v4;
	v9 =	vadd.f32 v20, v22;
	v22 =	vld.idx.msk [tilespmem:v3+s2+$0x0], $0xffff  }
0xe2: {  	v3 =	vld [tilespmem:$0x1FFE0]  }
0xe3: {  	v15 =	vld.idx.msk [tilespmem:v46+s2+$0x0], $0xffff  }
0xe4: {  	v27 =	vld.idx.msk [tilespmem:v52+s2+$0x0], $0xffff  }
0xe5: {  	v10 =	vadd.f32 v1, v55;
	v1 =	vld.idx.msk [tilespmem:v53+s2+$0x0], $0xffff  }
0xe6: {  	v13 =	vadd.f32 v13, v63;
	v56 =	vadd.f32 v25, v14;
	v2 =	vld.idx.msk [tilespmem:v16+s2+$0x0], $0xffff  }
0xe7: {  	v14 =	vadd.f32 v11, v10;
	v10 =	vld.idx.msk [tilespmem:v17+s2+$0x0], $0xffff;
	v17 =	vadd.f32 v23, v21  }
0xe8: {  	v11 =	vld.idx.msk [tilespmem:v18+s2+$0x0], $0xffff  }
0xe9: {  	v16 =	vld.idx.msk [tilespmem:v19+s2+$0x0], $0xffff;
	v15 =	vadd.f32 v15, v26;
	v26 =	vadd.f32 v13, v17  }
0xea: {  	s14 =	simm.s32 $0x0;
	s15 =	simm.s32 $0x8D3;
	v13 =	vadd.f32 v27, v12;
	v9 =	vadd.f32 v9, v14;
	v27 =	vld.idx.msk [tilespmem:v3+s2+$0x0], $0xffff  }
.LBB2_2:
0xeb: {  	v1 =	vadd.f32 v2, v1;
	_ =	sdelay $0x1  }
0xec: {  	[tilespmem:$0x1FCB0] =	vst v1;
	v1 =	vld.idx.msk [tilespmem:v8+s2+$0x0], $0xffff;
	_ =	sdelay $0x1  }
0xed: {  	v36 =	vadd.f32 v13, v15;
	v15 =	vld [tilespmem:$0x1FFF0];
	_ =	sdelay $0x1  }
0xee: {  	s16 =	sadd.s32 $0xFFFFFC2D, s15  }
0xef: {  	[tilespmem:$0x1FCA0] =	vst v1;
	v1 =	vadd.s32 s16, v0  }
0xf0: {  	v1 =	vand.u32 $0x7F80, v1  }
0xf1: {  	s29 =	sadd.s32 $0xFFFFFC30, s15;
	v1 =	vor.u32 v15, v1  }
0xf2: {  	s31 =	sadd.s32 $0xFFFFFC31, s15;
	[tilespmem:$0x1FCC0] =	vst v1;
	v1 =	vadd.s32 s29, v0  }
0xf3: {  	s19 =	sadd.s32 $0xFFFFFC32, s15;
	[tilespmem:$0x1FCF0] =	vst v1;
	v1 =	vadd.s32 s31, v0  }
0xf4: {  	[tilespmem:$0x1FD00] =	vst v1;
	v1 =	vadd.s32 s19, v0  }
0xf5: {  	[tilespmem:$0x1FD10] =	vst v1;
	v1 =	vld [tilespmem:$0x1FEA0];
	_ =	sdelay $0x4  }
0xf6: {  	v12 =	vadd.s32 s15, v0;
	_ =	sdelay $0x1  }
0xf7: {  	v37 =	vld.idx.msk [tilespmem:v7+s2+$0x0], $0xffff;
	s22 =	sadd.s32 $0xFFFFFC33, s15  }
0xf8: {  	s30 =	sadd.s32 $0xFFFFFEBE, s15;
	s20 =	sadd.s32 $0xFFFFFC34, s15;
	v61 =	vld.idx.msk [tilespmem:v1+s2+$0x0], $0xffff;
	v1 =	vadd.s32 s22, v0  }
0xf9: {  	s21 =	sadd.s32 $0xFFFFFEBF, s15;
	v34 =	vld.idx.msk [tilespmem:v6+s2+$0x0], $0xffff;
	v7 =	vadd.s32 s30, v0;
	[tilespmem:$0x1FD20] =	vst v1;
	v1 =	vadd.s32 s20, v0  }
0xfa: {  	s17 =	sadd.s32 $0xFFFFFC2E, s15;
	v6 =	vadd.s32 s21, v0;
	[tilespmem:$0x1FD30] =	vst v1;
	v1 =	vld.idx.msk [tilespmem:v12+s7+$0x0], $0xffff  }
0xfb: {  	s18 =	sadd.s32 $0xFFFFFEBD, s15;
	s28 =	sadd.s32 $0xFFFFFC2F, s15;
	v2 =	vadd.s32 s17, v0;
	s29 =	sadd.s32 $0xFFFFFEAF, s15  }
0xfc: {  	v3 =	vadd.s32 s28, v0;
	[tilespmem:$0x1FCD0] =	vst v2;
	v2 =	vadd.s32 s18, v0;
	v12 =	vadd.s32 s29, v0;
	s29 =	sadd.s32 $0xFFFFFD6F, s15  }
0xfd: {  	[tilespmem:$0x1FCE0] =	vst v3;
	v3 =	vadd.s32 s29, v0  }
0xfe: {  	s24 =	sadd.s32 $0xFFFFFC35, s15;
	v33 =	vld.idx.msk [tilespmem:v7+s7+$0x0], $0xffff;
	[tilespmem:$0x1FDE0] =	vst v3  }
0xff: {  	s23 =	sadd.s32 $0xFFFFFEC0, s15;
	s25 =	sadd.s32 $0xFFFFFC36, s15;
	v25 =	vld.idx.msk [tilespmem:v6+s7+$0x0], $0xffff;
	[tilespmem:$0x1FEA0] =	vst v1;
	v1 =	vadd.s32 s24, v0  }
0x100: {  	v31 =	vld.idx.msk [tilespmem:v5+s2+$0x0], $0xffff;
	s26 =	sadd.s32 $0xFFFFFC37, s15;
	v5 =	vadd.s32 s23, v0;
	[tilespmem:$0x1FD40] =	vst v1;
	v1 =	vadd.s32 s25, v0  }
0x101: {  	s28 =	sadd.s32 $0xFFFFFC38, s15;
	[tilespmem:$0x1FD50] =	vst v1;
	v1 =	vld.idx.msk [tilespmem:v2+s7+$0x0], $0xffff;
	v2 =	vadd.s32 s26, v0  }
0x102: {  	s30 =	sadd.s32 $0xFFFFFC39, s15;
	[tilespmem:$0x1FD60] =	vst v2;
	v2 =	vadd.s32 s28, v0  }
0x103: {  	s21 =	sadd.s32 $0xFFFFFEAE, s15;
	v10 =	vadd.f32 v11, v10;
	v11 =	vadd.f32 v22, v16;
	s31 =	sadd.s32 $0xFFFFFC3A, s15;
	s24 =	sadd.s32 $0xFFFFFEB1, s15;
	[tilespmem:$0x1FD70] =	vst v2;
	v2 =	vadd.s32 s30, v0  }
0x104: {  	v8 =	vadd.s32 s21, v0;
	s21 =	sadd.s32 $0xFFFFFEB0, s15;
	v22 =	vld [tilespmem:$0x1FCA0];
	v7 =	vadd.s32 s24, v0;
	s30 =	sadd.s32 $0xFFFFFD70, s15;
	[tilespmem:$0x1FD80] =	vst v2;
	v2 =	vadd.s32 s31, v0  }
0x105: {  	v63 =	vld.idx.msk [tilespmem:v5+s7+$0x0], $0xffff;
	v13 =	vadd.s32 s21, v0;
	s22 =	sadd.s32 $0xFFFFFC3B, s15;
	s28 =	sadd.s32 $0xFFFFFEB2, s15;
	v3 =	vadd.s32 s30, v0;
	[tilespmem:$0x1FD90] =	vst v2  }
0x106: {  	v33 =	vld.idx.msk [tilespmem:v33+s2+$0x0], $0xffff;
	s19 =	sadd.s32 $0xFFFFFD71, s15;
	v6 =	vadd.s32 s28, v0;
	v2 =	vadd.s32 s22, v0;
	[tilespmem:$0x1FDF0] =	vst v3  }
0x107: {  	s23 =	sadd.s32 $0xFFFFFC3C, s15;
	v25 =	vld.idx.msk [tilespmem:v25+s2+$0x0], $0xffff;
	v3 =	vadd.s32 s19, v0;
	[tilespmem:$0x1FDA0] =	vst v2  }
0x108: {  	s21 =	sadd.s32 $0xFFFFFD72, s15;
	s29 =	sadd.s32 $0xFFFFFEB6, s15;
	v5 =	vld.idx.msk [tilespmem:v12+s7+$0x0], $0xffff;
	v2 =	vadd.s32 s23, v0;
	[tilespmem:$0x1FE00] =	vst v3  }
0x109: {  	v22 =	vadd.f32 v22, v27;
	s25 =	sadd.s32 $0xFFFFFD6D, s15;
	s22 =	sadd.s32 $0xFFFFFEB4, s15;
	v40 =	vld.idx.msk [tilespmem:v7+s7+$0x0], $0xffff;
	v7 =	vadd.s32 s29, v0;
	v3 =	vadd.s32 s21, v0;
	[tilespmem:$0x1FDB0] =	vst v2  }
0x10a: {  	s26 =	sadd.s32 $0xFFFFFD6E, s15;
	v12 =	vadd.s32 s22, v0;
	s22 =	sadd.s32 $0xFFFFFD79, s15;
	v2 =	vadd.s32 s25, v0;
	[tilespmem:$0x1FE10] =	vst v3;
	v3 =	vld.idx.msk [tilespmem:v13+s7+$0x0], $0xffff  }
0x10b: {  	v11 =	vadd.f32 v22, v11;
	s25 =	sadd.s32 $0xFFFFFEB5, s15;
	v38 =	vadd.s32 s22, v0;
	[tilespmem:$0x1FDC0] =	vst v2;
	v2 =	vadd.s32 s26, v0;
	v41 =	vld.idx.msk [tilespmem:v6+s7+$0x0], $0xffff  }
0x10c: {  	s21 =	sadd.s32 $0xFFFFFEB7, s15;
	v13 =	vadd.s32 s25, v0;
	[tilespmem:$0x1FDD0] =	vst v2;
	v2 =	vld.idx.msk [tilespmem:v8+s7+$0x0], $0xffff  }
0x10d: {  	v4 =	vadd.f32 v11, v4;
	s23 =	sadd.s32 $0xFFFFFD73, s15;
	v6 =	vadd.s32 s21, v0;
	v55 =	vld.idx.msk [tilespmem:v1+s2+$0x0], $0xffff  }
0x10e: {  	v14 =	vadd.s32 s23, v0;
	s23 =	sadd.s32 $0xFFFFFD7A, s15;
	v47 =	vld.idx.msk [tilespmem:v7+s7+$0x0], $0xffff  }
0x10f: {  	[tilespmem:s13+$0xFFFFFFF0] =	vst v4;
	s24 =	sadd.s32 $0xFFFFFD74, s15;
	s31 =	sadd.s32 $0xFFFFFEB3, s15;
	v39 =	vadd.s32 s23, v0;
	v45 =	vld.idx.msk [tilespmem:v12+s7+$0x0], $0xffff  }
0x110: {  	s26 =	sadd.s32 $0xFFFFFD75, s15;
	[tilespmem:$0x1FE20] =	vst v14;
	v14 =	vadd.s32 s24, v0;
	s21 =	sadd.s32 $0xFFFFFEBB, s15;
	v8 =	vadd.s32 s31, v0;
	v38 =	vld.idx.msk [tilespmem:v38+s7+$0x0], $0xffff  }
0x111: {  	s28 =	sadd.s32 $0xFFFFFD76, s15;
	[tilespmem:$0x1FE30] =	vst v14;
	v14 =	vadd.s32 s26, v0;
	v7 =	vadd.s32 s21, v0;
	v46 =	vld.idx.msk [tilespmem:v13+s7+$0x0], $0xffff  }
0x112: {  	[tilespmem:$0x1FE40] =	vst v14;
	v14 =	vadd.s32 s28, v0;
	s28 =	sadd.s32 $0xFFFFFEB9, s15;
	v48 =	vld.idx.msk [tilespmem:v6+s7+$0x0], $0xffff  }
0x113: {  	v12 =	vadd.s32 s28, v0;
	v16 =	vld.idx.msk [tilespmem:v40+s2+$0x0], $0xffff  }
0x114: {  	v26 =	vadd.f32 v36, v26;
	v39 =	vld.idx.msk [tilespmem:v39+s7+$0x0], $0xffff  }
0x115: {  	v27 =	vadd.f32 v34, v37;
	v31 =	vadd.f32 v61, v31;
	s30 =	sadd.s32 $0xFFFFFD77, s15;
	v44 =	vld.idx.msk [tilespmem:v8+s7+$0x0], $0xffff  }
0x116: {  	[tilespmem:$0x1FE50] =	vst v14;
	v14 =	vadd.s32 s30, v0;
	s30 =	sadd.s32 $0xFFFFFFED, s15;
	v52 =	vld.idx.msk [tilespmem:v7+s7+$0x0], $0xffff  }
0x117: {  	v9 =	vadd.f32 v26, v9;
	v27 =	vadd.f32 v31, v27;
	s29 =	sadd.s32 $0xFFFFFEBA, s15;
	v35 =	vadd.s32 s30, v0;
	v3 =	vld.idx.msk [tilespmem:v3+s2+$0x0], $0xffff  }
0x118: {  	s23 =	sadd.s32 $0xFFFFFEBC, s15;
	v13 =	vadd.s32 s29, v0;
	v50 =	vld.idx.msk [tilespmem:v12+s7+$0x0], $0xffff  }
0x119: {  	v9 =	vadd.f32 v27, v9;
	v6 =	vadd.s32 s23, v0;
	v34 =	vld.idx.msk [tilespmem:v41+s2+$0x0], $0xffff  }
0x11a: {  	s24 =	sadd.s32 $0xFFFFFEB8, s15;
	v1 =	vld.idx.msk [tilespmem:v2+s2+$0x0], $0xffff  }
0x11b: {  	[tilespmem:s13+$0x10] =	vst v9;
	s30 =	sadd.s32 $0xFFFFFFF5, s15;
	v8 =	vadd.s32 s24, v0;
	v2 =	vld.idx.msk [tilespmem:v5+s2+$0x0], $0xffff  }
0x11c: {  	s31 =	sadd.s32 $0xFFFFFD78, s15;
	v60 =	vadd.s32 s30, v0;
	s30 =	sadd.s32 $0xFFFFFFFC, s15;
	v35 =	vld.idx.msk [tilespmem:v35+s7+$0x0], $0xffff  }
0x11d: {  	s25 =	sadd.s32 $0xFFFFFD7B, s15;
	[tilespmem:$0x1FE60] =	vst v14;
	v14 =	vadd.s32 s31, v0;
	v18 =	vadd.s32 s30, v0;
	v51 =	vld.idx.msk [tilespmem:v13+s7+$0x0], $0xffff  }
0x11e: {  	s26 =	sadd.s32 $0xFFFFFD7C, s15;
	[tilespmem:$0x1FE70] =	vst v14;
	v14 =	vadd.s32 s25, v0;
	v53 =	vld.idx.msk [tilespmem:v6+s7+$0x0], $0xffff  }
0x11f: {  	s18 =	sadd.s32 $0xFFFFFEAD, s15;
	s22 =	sadd.s32 $0xFFFFFFEF, s15;
	[tilespmem:$0x1FE80] =	vst v14;
	v14 =	vadd.s32 s26, v0;
	v11 =	vld.idx.msk [tilespmem:v47+s2+$0x0], $0xffff  }
0x120: {  	v29 =	vadd.s32 s22, v0;
	s26 =	sadd.s32 $0xFFFFFFF2, s15;
	[tilespmem:$0x1FE90] =	vst v14;
	v14 =	vadd.s32 s18, v0;
	v49 =	vld.idx.msk [tilespmem:v8+s7+$0x0], $0xffff  }
0x121: {  	v57 =	vadd.s32 s26, v0;
	v14 =	vand.u32 $0x7F80, v14;
	v22 =	vld.idx.msk [tilespmem:v45+s2+$0x0], $0xffff  }
0x122: {  	v14 =	vor.u32 v15, v14;
	v18 =	vld.idx.msk [tilespmem:v18+s7+$0x0], $0xffff  }
0x123: {  	v31 =	vld.idx.msk [tilespmem:v46+s2+$0x0], $0xffff  }
0x124: {  	v27 =	vld.idx.msk [tilespmem:v48+s2+$0x0], $0xffff  }
0x125: {  	v16 =	vadd.f32 v34, v16;
	v34 =	vld.idx.msk [tilespmem:v29+s7+$0x0], $0xffff  }
0x126: {  	s28 =	sadd.s32 $0xFFFFFFF3, s15;
	v29 =	vld.idx.msk [tilespmem:v57+s7+$0x0], $0xffff  }
0x127: {  	v28 =	vadd.s32 s28, v0;
	s28 =	sadd.s32 $0xFFFFFFFA, s15;
	v54 =	vld.idx.msk [tilespmem:v14+s7+$0x0], $0xffff  }
0x128: {  	v12 =	vadd.s32 s28, v0;
	s28 =	sadd.s32 $0xFFFFFD80, s15;
	v26 =	vld.idx.msk [tilespmem:v44+s2+$0x0], $0xffff  }
0x129: {  	v8 =	vadd.s32 s28, v0;
	v44 =	vld [tilespmem:$0x1FCB0]  }
0x12a: {  	v2 =	vadd.f32 v3, v2;
	v3 =	vld [tilespmem:$0x1FCC0]  }
0x12b: {  	s24 =	sadd.s32 $0xFFFFFFF0, s15;
	v61 =	vld.idx.msk [tilespmem:v52+s2+$0x0], $0xffff  }
0x12c: {  	v30 =	vadd.s32 s24, v0;
	v4 =	vld.idx.msk [tilespmem:v50+s2+$0x0], $0xffff  }
0x12d: {  	s31 =	sadd.s32 $0xFFFFFFEE, s15;
	s29 =	sadd.s32 $0xFFFFFFF4, s15;
	v50 =	vld.idx.msk [tilespmem:v63+s2+$0x0], $0xffff  }
0x12e: {  	v32 =	vadd.s32 s31, v0;
	s31 =	sadd.s32 $0xFFFFFFF6, s15;
	v62 =	vadd.s32 s29, v0;
	v8 =	vld.idx.msk [tilespmem:v8+s7+$0x0], $0xffff  }
0x12f: {  	v59 =	vadd.s32 s31, v0;
	v9 =	vld.idx.msk [tilespmem:v51+s2+$0x0], $0xffff  }
0x130: {  	s22 =	sadd.s32 $0xFFFFFFF7, s15;
	v48 =	vld.idx.msk [tilespmem:v53+s2+$0x0], $0xffff  }
0x131: {  	v17 =	vadd.s32 s22, v0;
	s29 =	sadd.s32 $0xFFFFFFFB, s15;
	v11 =	vadd.f32 v11, v31;
	v31 =	vld.idx.msk [tilespmem:v30+s7+$0x0], $0xffff;
	v10 =	vadd.f32 v10, v44  }
0x132: {  	v13 =	vadd.s32 s29, v0;
	v30 =	vld.idx.msk [tilespmem:v28+s7+$0x0], $0xffff  }
0x133: {  	v28 =	vld.idx.msk [tilespmem:v62+s7+$0x0], $0xffff;
	v10 =	vadd.f32 v10, v56  }
0x134: {  	v62 =	vld.idx.msk [tilespmem:v59+s7+$0x0], $0xffff  }
0x135: {  	s19 =	sadd.s32 $0xFFFFFD7D, s15;
	[tilespmem:s13+$0xFFFFFFE0] =	vst v10;
	v10 =	vld.idx.msk [tilespmem:v49+s2+$0x0], $0xffff  }
0x136: {  	s22 =	sadd.s32 $0xFFFFFD7E, s15;
	v14 =	vadd.s32 s19, v0;
	v59 =	vld.idx.msk [tilespmem:v17+s7+$0x0], $0xffff  }
0x137: {  	v21 =	vadd.s32 s22, v0;
	v17 =	vld.idx.msk [tilespmem:v13+s7+$0x0], $0xffff  }
0x138: {  	v22 =	vadd.f32 v22, v26;
	v26 =	vld [tilespmem:$0x1FCD0]  }
0x139: {  	v4 =	vadd.f32 v9, v4;
	v9 =	vld [tilespmem:$0x1FCE0]  }
0x13a: {  	v10 =	vadd.f32 v10, v27;
	v27 =	vld [tilespmem:$0x1FE10]  }
0x13b: {  	v13 =	vld.idx.msk [tilespmem:v14+s7+$0x0], $0xffff  }
0x13c: {  	v14 =	vld.idx.msk [tilespmem:v21+s7+$0x0], $0xffff  }
0x13d: {  	v18 =	vld.idx.msk [tilespmem:v18+s2+$0x0], $0xffff  }
0x13e: {  	v49 =	vld.idx.msk [tilespmem:v54+s2+$0x0], $0xffff  }
0x13f: {  	v16 =	vadd.f32 v22, v16;
	v22 =	vld [tilespmem:$0x1FD20]  }
0x140: {  	s25 =	sadd.s32 $0xFFFFFFF1, s15;
	s31 =	sadd.s32 $0xFFFFFC3E, s15;
	v41 =	vld.idx.msk [tilespmem:v26+s7+$0x0], $0xffff  }
0x141: {  	v58 =	vadd.s32 s25, v0;
	s25 =	sadd.s32 $0xFFFFFC40, s15;
	v24 =	vadd.s32 s31, v0;
	v47 =	vld.idx.msk [tilespmem:v9+s7+$0x0], $0xffff  }
0x142: {  	v7 =	vadd.s32 s25, v0;
	s29 =	sadd.s32 $0xFFFFFFFD, s15;
	v26 =	vadd.f32 v48, v61;
	v61 =	vld.idx.msk [tilespmem:v27+s7+$0x0], $0xffff  }
0x143: {  	v19 =	vadd.s32 s29, v0;
	v9 =	vadd.f32 v1, v49;
	v27 =	vld [tilespmem:$0x1FE20]  }
0x144: {  	v3 =	vld.idx.msk [tilespmem:v3+s7+$0x0], $0xffff  }
0x145: {  	v2 =	vadd.f32 v2, v9;
	v9 =	vld [tilespmem:$0x1FD10]  }
0x146: {  	v57 =	vld.idx.msk [tilespmem:v24+s7+$0x0], $0xffff  }
0x147: {  	v24 =	vld.idx.msk [tilespmem:v7+s7+$0x0], $0xffff  }
0x148: {  	v7 =	vld.idx.msk [tilespmem:v19+s7+$0x0], $0xffff  }
0x149: {  	v17 =	vld.idx.msk [tilespmem:v17+s2+$0x0], $0xffff  }
0x14a: {  	v4 =	vadd.f32 v26, v4;
	v10 =	vadd.f32 v10, v11;
	v1 =	vld [tilespmem:$0x1FCF0]  }
0x14b: {  	v63 =	vld.idx.msk [tilespmem:v27+s7+$0x0], $0xffff  }
0x14c: {  	v11 =	vadd.f32 v50, v25;
	v4 =	vadd.f32 v4, v10;
	v27 =	vld [tilespmem:$0x1FE30]  }
0x14d: {  	v2 =	vadd.f32 v16, v2;
	v45 =	vld.idx.msk [tilespmem:v9+s7+$0x0], $0xffff;
	v9 =	vadd.f32 v33, v55  }
0x14e: {  	v44 =	vld.idx.msk [tilespmem:v22+s7+$0x0], $0xffff  }
0x14f: {  	v10 =	vld [tilespmem:$0x1FD30];
	v2 =	vadd.f32 v4, v2;
	v9 =	vadd.f32 v11, v9  }
0x150: {  	v3 =	vld.idx.msk [tilespmem:v3+s2+$0x0], $0xffff  }
0x151: {  	v4 =	vld [tilespmem:$0x1FD50];
	v2 =	vadd.f32 v9, v2  }
0x152: {  	s13 =	sadd.s32 $0x40, s13;
	v52 =	vld.idx.msk [tilespmem:v1+s7+$0x0], $0xffff  }
0x153: {  	[tilespmem:s13+$0x0] =	vst v2;
	v2 =	vld [tilespmem:$0x1FD90]  }
0x154: {  	v55 =	vld.idx.msk [tilespmem:v27+s7+$0x0], $0xffff  }
0x155: {  	v27 =	vld [tilespmem:$0x1FE40]  }
0x156: {  	v1 =	vld [tilespmem:$0x1FD00]  }
0x157: {  	v19 =	vld.idx.msk [tilespmem:v47+s2+$0x0], $0xffff  }
0x158: {  	v48 =	vld.idx.msk [tilespmem:v10+s7+$0x0], $0xffff  }
0x159: {  	v53 =	vld.idx.msk [tilespmem:v4+s7+$0x0], $0xffff  }
0x15a: {  	v4 =	vld [tilespmem:$0x1FD60]  }
0x15b: {  	v9 =	vld.idx.msk [tilespmem:v2+s7+$0x0], $0xffff  }
0x15c: {  	v2 =	vld [tilespmem:$0x1FDA0]  }
0x15d: {  	v50 =	vld.idx.msk [tilespmem:v27+s7+$0x0], $0xffff  }
0x15e: {  	v27 =	vld [tilespmem:$0x1FE50]  }
0x15f: {  	v10 =	vld [tilespmem:$0x1FD40]  }
0x160: {  	v33 =	vld.idx.msk [tilespmem:v32+s7+$0x0], $0xffff  }
0x161: {  	v32 =	vld.idx.msk [tilespmem:v58+s7+$0x0], $0xffff  }
0x162: {  	s26 =	sadd.s32 $0xFFFFFFF9, s15;
	v54 =	vld.idx.msk [tilespmem:v4+s7+$0x0], $0xffff  }
0x163: {  	v42 =	vadd.s32 s26, v0;
	s26 =	sadd.s32 $0xFFFFFD7F, s15;
	v4 =	vld [tilespmem:$0x1FD70]  }
0x164: {  	s30 =	sadd.s32 $0xFFFFFFFE, s15;
	v6 =	vadd.s32 s26, v0;
	v16 =	vld.idx.msk [tilespmem:v2+s7+$0x0], $0xffff  }
0x165: {  	v5 =	vadd.s32 s30, v0;
	v2 =	vld [tilespmem:$0x1FDB0]  }
0x166: {  	v49 =	vld.idx.msk [tilespmem:v27+s7+$0x0], $0xffff  }
0x167: {  	v27 =	vld [tilespmem:$0x1FE60]  }
0x168: {  	v58 =	vld.idx.msk [tilespmem:v12+s7+$0x0], $0xffff  }
0x169: {  	v12 =	vld.idx.msk [tilespmem:v6+s7+$0x0], $0xffff  }
0x16a: {  	v6 =	vld.idx.msk [tilespmem:v5+s7+$0x0], $0xffff  }
0x16b: {  	s31 =	sadd.s32 $0xFFFFFFFF, s15;
	v56 =	vld.idx.msk [tilespmem:v4+s7+$0x0], $0xffff  }
0x16c: {  	v15 =	vadd.s32 s31, v0;
	v4 =	vld [tilespmem:$0x1FD80]  }
0x16d: {  	v22 =	vld.idx.msk [tilespmem:v2+s7+$0x0], $0xffff  }
0x16e: {  	v2 =	vld [tilespmem:$0x1FDC0]  }
0x16f: {  	v40 =	vld.idx.msk [tilespmem:v27+s7+$0x0], $0xffff  }
0x170: {  	v27 =	vld [tilespmem:$0x1FE70]  }
0x171: {  	v5 =	vld.idx.msk [tilespmem:v15+s7+$0x0], $0xffff  }
0x172: {  	v15 =	vld.idx.msk [tilespmem:v41+s2+$0x0], $0xffff  }
0x173: {  	v1 =	vld.idx.msk [tilespmem:v1+s7+$0x0], $0xffff  }
0x174: {  	v21 =	vld.idx.msk [tilespmem:v52+s2+$0x0], $0xffff  }
0x175: {  	v11 =	vld.idx.msk [tilespmem:v4+s7+$0x0], $0xffff  }
0x176: {  	v4 =	vld.idx.msk [tilespmem:v2+s7+$0x0], $0xffff  }
0x177: {  	v2 =	vld [tilespmem:$0x1FDD0]  }
0x178: {  	v46 =	vld.idx.msk [tilespmem:v27+s7+$0x0], $0xffff  }
0x179: {  	v27 =	vld [tilespmem:$0x1FE80]  }
0x17a: {  	v51 =	vld.idx.msk [tilespmem:v10+s7+$0x0], $0xffff  }
0x17b: {  	v10 =	vld [tilespmem:$0x1FE00]  }
0x17c: {  	v52 =	vld.idx.msk [tilespmem:v48+s2+$0x0], $0xffff  }
0x17d: {  	v41 =	vld.idx.msk [tilespmem:v45+s2+$0x0], $0xffff  }
0x17e: {  	v53 =	vld.idx.msk [tilespmem:v53+s2+$0x0], $0xffff  }
0x17f: {  	v25 =	vld.idx.msk [tilespmem:v2+s7+$0x0], $0xffff  }
0x180: {  	v2 =	vld [tilespmem:$0x1FDE0]  }
0x181: {  	v36 =	vld.idx.msk [tilespmem:v27+s7+$0x0], $0xffff  }
0x182: {  	v27 =	vld [tilespmem:$0x1FE90]  }
0x183: {  	v1 =	vld.idx.msk [tilespmem:v1+s2+$0x0], $0xffff  }
0x184: {  	v10 =	vld.idx.msk [tilespmem:v10+s7+$0x0], $0xffff  }
0x185: {  	v3 =	vadd.f32 v15, v3;
	v15 =	vld.idx.msk [tilespmem:v51+s2+$0x0], $0xffff  }
0x186: {  	s20 =	sadd.s32 $0xFFFFFFF8, s15;
	v19 =	vadd.f32 v21, v19;
	v21 =	vld.idx.msk [tilespmem:v54+s2+$0x0], $0xffff  }
0x187: {  	v20 =	vadd.s32 s20, v0;
	v9 =	vld.idx.msk [tilespmem:v9+s2+$0x0], $0xffff  }
0x188: {  	s23 =	sadd.s32 $0xFFFFFC3D, s15;
	v26 =	vld.idx.msk [tilespmem:v2+s7+$0x0], $0xffff  }
0x189: {  	v23 =	vadd.s32 s23, v0;
	s24 =	sadd.s32 $0xFFFFFC3F, s15;
	v2 =	vld [tilespmem:$0x1FDF0]  }
0x18a: {  	v43 =	vadd.s32 s24, v0;
	v37 =	vld.idx.msk [tilespmem:v27+s7+$0x0], $0xffff  }
0x18b: {  	v27 =	vld.idx.msk [tilespmem:v60+s7+$0x0], $0xffff  }
0x18c: {  	v60 =	vld.idx.msk [tilespmem:v20+s7+$0x0], $0xffff  }
0x18d: {  	v20 =	vld.idx.msk [tilespmem:v42+s7+$0x0], $0xffff  }
0x18e: {  	v42 =	vld.idx.msk [tilespmem:v23+s7+$0x0], $0xffff  }
0x18f: {  	v23 =	vld.idx.msk [tilespmem:v43+s7+$0x0], $0xffff  }
0x190: {  	v43 =	vld.idx.msk [tilespmem:v44+s2+$0x0], $0xffff  }
0x191: {  	v56 =	vld.idx.msk [tilespmem:v56+s2+$0x0], $0xffff  }
0x192: {  	v16 =	vld.idx.msk [tilespmem:v16+s2+$0x0], $0xffff  }
0x193: {  	v11 =	vld.idx.msk [tilespmem:v11+s2+$0x0], $0xffff  }
0x194: {  	v3 =	vadd.f32 v19, v3;
	v22 =	vld.idx.msk [tilespmem:v22+s2+$0x0], $0xffff  }
0x195: {  	v1 =	vadd.f32 v41, v1;
	v2 =	vld.idx.msk [tilespmem:v2+s7+$0x0], $0xffff;
	v19 =	vadd.f32 v52, v43  }
0x196: {  	v10 =	vld.idx.msk [tilespmem:v10+s2+$0x0], $0xffff  }
0x197: {  	v4 =	vld.idx.msk [tilespmem:v4+s2+$0x0], $0xffff;
	v1 =	vadd.f32 v19, v1  }
0x198: {  	v15 =	vadd.f32 v53, v15;
	v19 =	vadd.f32 v56, v21;
	v21 =	vld.idx.msk [tilespmem:v26+s2+$0x0], $0xffff  }
0x199: {  	v9 =	vadd.f32 v9, v11;
	v1 =	vadd.f32 v1, v3;
	v3 =	vld.idx.msk [tilespmem:v25+s2+$0x0], $0xffff  }
0x19a: {  	v11 =	vadd.f32 v19, v15;
	v15 =	vadd.f32 v22, v16;
	v16 =	vld.idx.msk [tilespmem:v61+s2+$0x0], $0xffff  }
0x19b: {  	v19 =	vld.idx.msk [tilespmem:v63+s2+$0x0], $0xffff  }
0x19c: {  	v22 =	vld.idx.msk [tilespmem:v46+s2+$0x0], $0xffff  }
0x19d: {  	v2 =	vld.idx.msk [tilespmem:v2+s2+$0x0], $0xffff;
	v9 =	vadd.f32 v15, v9  }
0x19e: {  	v15 =	vld.idx.msk [tilespmem:v55+s2+$0x0], $0xffff  }
0x19f: {  	v9 =	vadd.f32 v9, v11;
	v11 =	vld.idx.msk [tilespmem:v49+s2+$0x0], $0xffff  }
0x1a0: {  	v3 =	vadd.f32 v3, v4;
	v4 =	vld.idx.msk [tilespmem:v50+s2+$0x0], $0xffff  }
0x1a1: {  	v10 =	vadd.f32 v16, v10;
	v16 =	vld.idx.msk [tilespmem:v37+s2+$0x0], $0xffff  }
0x1a2: {  	v56 =	vadd.f32 v9, v1;
	v1 =	vld.idx.msk [tilespmem:v38+s2+$0x0], $0xffff  }
0x1a3: {  	v2 =	vadd.f32 v2, v21;
	v21 =	vld.idx.msk [tilespmem:v40+s2+$0x0], $0xffff  }
0x1a4: {  	v9 =	vadd.f32 v15, v19;
	v15 =	vld.idx.msk [tilespmem:v36+s2+$0x0], $0xffff  }
0x1a5: {  	v19 =	vld.idx.msk [tilespmem:v34+s2+$0x0], $0xffff  }
0x1a6: {  	v2 =	vadd.f32 v2, v3;
	v3 =	vld.idx.msk [tilespmem:v39+s2+$0x0], $0xffff;
	v9 =	vadd.f32 v9, v10  }
0x1a7: {  	v10 =	vld.idx.msk [tilespmem:v35+s2+$0x0], $0xffff  }
0x1a8: {  	v2 =	vadd.f32 v9, v2;
	v9 =	vld.idx.msk [tilespmem:v33+s2+$0x0], $0xffff  }
0x1a9: {  	v15 =	vadd.f32 v16, v15;
	v16 =	vld.idx.msk [tilespmem:v29+s2+$0x0], $0xffff  }
0x1aa: {  	v4 =	vadd.f32 v11, v4;
	v11 =	vadd.f32 v22, v21;
	v21 =	vld.idx.msk [tilespmem:v30+s2+$0x0], $0xffff  }
0x1ab: {  	v22 =	vld.idx.msk [tilespmem:v60+s2+$0x0], $0xffff  }
0x1ac: {  	v1 =	vadd.f32 v3, v1;
	v3 =	vadd.f32 v11, v4;
	v4 =	vld.idx.msk [tilespmem:v31+s2+$0x0], $0xffff  }
0x1ad: {  	v11 =	vld.idx.msk [tilespmem:v32+s2+$0x0], $0xffff  }
0x1ae: {  	v1 =	vadd.f32 v15, v1;
	v15 =	vld.idx.msk [tilespmem:v28+s2+$0x0], $0xffff  }
0x1af: {  	v9 =	vadd.f32 v9, v10;
	v10 =	vld.idx.msk [tilespmem:v27+s2+$0x0], $0xffff  }
0x1b0: {  	v1 =	vadd.f32 v1, v3;
	v3 =	vld.idx.msk [tilespmem:v62+s2+$0x0], $0xffff  }
0x1b1: {  	v4 =	vadd.f32 v4, v19;
	v19 =	vld.idx.msk [tilespmem:v59+s2+$0x0], $0xffff  }
0x1b2: {  	v11 =	vadd.f32 v16, v11;
	v16 =	vld.idx.msk [tilespmem:v20+s2+$0x0], $0xffff  }
0x1b3: {  	v20 =	vld.idx.msk [tilespmem:v58+s2+$0x0], $0xffff;
	v9 =	vadd.f32 v4, v9  }
0x1b4: {  	s14 =	sadd.s32 $0x4, s14;
	v27 =	vld.idx.msk [tilespmem:v12+s2+$0x0], $0xffff;
	v4 =	vadd.f32 v1, v2;
	v1 =	vadd.f32 v15, v21  }
0x1b5: {  	p0 =	slt.u32 s14, $0x1C;
	v2 =	vld.idx.msk [tilespmem:v57+s2+$0x0], $0xffff  }
.Ltmp0:
0x1b6: {  	v3 =	vadd.f32 v3, v10;
	v10 =	vadd.f32 v1, v11;
	v1 =	vld.idx.msk [tilespmem:v42+s2+$0x0], $0xffff;
	(pc) =	sbr.rel @p0 .LBB2_2-.Ltmp0, $4  }
0x1b7: {  	v11 =	vld.idx.msk [tilespmem:v24+s2+$0x0], $0xffff  }
0x1b8: {  	v19 =	vadd.f32 v22, v19;
	v15 =	vadd.f32 v20, v16;
	v16 =	vld.idx.msk [tilespmem:v13+s2+$0x0], $0xffff  }
0x1b9: {  	v22 =	vld.idx.msk [tilespmem:v14+s2+$0x0], $0xffff;
	v13 =	vadd.f32 v18, v17  }
0x1ba: {  	s15 =	sadd.s32 $0x500, s15;
	v9 =	vadd.f32 v10, v9;
	v10 =	vld.idx.msk [tilespmem:v23+s2+$0x0], $0xffff;
	v26 =	vadd.f32 v19, v3  }
0x1bb: {  	v12 =	vld [tilespmem:$0x1FEA0];
	_ =	sdelay $0x3  }
0x1bc: {  	v3 =	vld.idx.msk [tilespmem:v8+s2+$0x0], $0xffff  }
0x1bd: {  	v7 =	vld.idx.msk [tilespmem:v7+s2+$0x0], $0xffff  }
0x1be: {  	v6 =	vld.idx.msk [tilespmem:v6+s2+$0x0], $0xffff  }
0x1bf: {  	v5 =	vld.idx.msk [tilespmem:v5+s2+$0x0], $0xffff  }
0x1c0: {  	v61 =	vadd.f32 v13, v15;
	v12 =	vld.idx.msk [tilespmem:v12+s2+$0x0], $0xffff;
	_ =	sdelay $0x1  }
0x1c1: {  	v1 =	vadd.f32 v2, v1;
	v2 =	vadd.f32 v61, v26  }
0x1c2: {  	v63 =	vadd.f32 v22, v16;
	v62 =	vadd.f32 v11, v10  }
0x1c3: {  	v3 =	vadd.f32 v3, v27;
	v6 =	vadd.f32 v6, v7  }
0x1c4: {  	v1 =	vadd.f32 v62, v1;
	v5 =	vadd.f32 v12, v5  }
0x1c5: {  	v2 =	vadd.f32 v2, v9;
	v3 =	vadd.f32 v3, v63  }
0x1c6: {  	v1 =	vadd.f32 v1, v56;
	v5 =	vadd.f32 v5, v6  }
0x1c7: {  	v3 =	vadd.f32 v3, v4  }
0x1c8: {  	s12 =	sadd.s32 $0x1, s12;
	[tilespmem:s13+$0xFFFFFFE0] =	vst v1;
	v2 =	vadd.f32 v5, v2  }
0x1c9: {  	p0 =	sne.s32 s12, s6;
	[tilespmem:s13+$0xFFFFFFF0] =	vst v3  }
.Ltmp1:
0x1ca: {  	[tilespmem:s13+$0x10] =	vst v2;
	(pc) =	sbr.rel @p0 .LBB2_1-.Ltmp1, $4  }
0x1cb: {  	[hbm4b:s5+s2] =	stream.linear.scatter [tilespmem:s10], [sflag:$0x3], $0x200, $0x38;
	[tilespmem:$0x1B100] =	vst v63  }
0x1cc: {  	_ =	swait.ge [sflag:s11], $0x200  }
0x1cd: {  	[sflag:s11] =	ssyncset.done $0x0  }
0x1ce: {  	v27 =	vld [tilespmem:$0x1FFF0];
	[sflag:s11] =	ssyncadd.s32 $0xFFFFFE00  }
0x1cf: {  	_ =	sfence.sel $0x180000  }
0x1d0: {  	[bflag:$0x0] =	sbarrier.arrive $0xFFFF  }
0x1d1: {  	p0 =	sne.s32 s1, $0x0;
	_ =	strace $0x90000047  }
0x1d2: {  	s0 =	sadd.s32 @!p0 $0x100000, s0;
	[bflag:$0x2] =	sbarrier.arrive $0xFFFF  }
0x1d3: {  	[sflag:s0] =	ssyncadd.tile.s32 @!p0 $0x1;
	_ =	shalt  }
.Lfunc_end2:
_tile_overlayer_lowered:
.L_overlay_start_2:
0x1d4: {  	(tag) =	ssettag $0x2  }
0x1d5: {  	s0 =	rddreg [dreg:$0x0];
	s2 =	stileid.u32  }
0x1d6: {  	s1 =	rddreg [dreg:$0x1];
	p0 =	sne.s32 s2, $0x0  }
0x1d7: {  	s3 =	rddreg [dreg:$0x2];
	[bflag:$0x3] =	sbarrier.arrive $0xFFFF;
	s2 =	simm.s32 @!p0 $0x1C03  }
0x1d8: {  	[timem:s3], [sflag:s2] =	dma.local @!p0 [hbm:s0], s1  }
0x1d9: {  	s0 =	simm.s32 @!p0 $0x3  }
0x1da: {  	_ =	swait.ge @!p0 [sflag:s0], s1  }
0x1db: {  	s1 =	ssub.s32 @!p0 $0x0, s1;
	[sflag:s0] =	ssyncset.done @!p0 $0x0  }
0x1dc: {  	[sflag:s0] =	ssyncadd.s32 @!p0 s1  }
0x1dd: {  	[bflag:$0x3] =	sbarrier.arrive $0xFFFF  }
0x1de: {  	_ =	shalt  }

</sc_bundles>
